<compile_context>
chip_gen: v7x
topology: tpu7x:2x2x1
jax: 0.10.2.dev20260603
libtpu: 0.0.44.dev20260713+nightly
codegen_flags: <defaults>
</compile_context>

<pallas_src>
import functools

import jax
import jax.numpy as jnp
from jax import lax
from jax.experimental import pallas as pl
from jax.experimental.pallas import tpu as pltpu
from jax.experimental.pallas import tpu_sc as plsc

S = 4
B = 512
NN = 64
E = 128
ME = 100000
MARGIN = 1.0

NC = 2
NS = 16
NW = NC * NS

C = 128
RING = 4

P = 2
BP = B // P
TPW = S * BP // NW
NCHUNK = (S * BP * NN) // (NW * C)


def _sc_gather_body(ent, relt, sidx_h, ridx_h, nidx_h,
                    h_out, t_out, rel_out, neg_out,
                    sidx_v, ridx_v, nidx_v, sbuf, rbuf, nbufs,
                    ssem, rsem, nsem0, nsem1, nsem2, nsem3):
    nsems = (nsem0, nsem1, nsem2, nsem3)
    wid = lax.axis_index("s") * NC + lax.axis_index("c")

    pltpu.sync_copy(nidx_h.at[wid], nidx_v)
    pltpu.sync_copy(sidx_h.at[wid], sidx_v)
    pltpu.sync_copy(ridx_h.at[wid], ridx_v)

    for b in range(RING):
        pltpu.async_copy(ent.at[nidx_v.at[b]], nbufs.at[b], nsems[b])

    pltpu.async_copy(ent.at[sidx_v], sbuf, ssem)
    pltpu.async_copy(relt.at[ridx_v], rbuf, rsem)

    nbase = wid * (NCHUNK * C)

    def step(k, b):
        pltpu.make_async_copy(ent.at[nidx_v.at[k]], nbufs.at[b], nsems[b]).wait()
        pltpu.sync_copy(nbufs.at[b], neg_out.at[pl.ds(nbase + k * C, C)])

    def outer(i, _):
        for b in range(RING):
            k = i * RING + b
            step(k, b)
            pltpu.async_copy(ent.at[nidx_v.at[k + RING]], nbufs.at[b], nsems[b])
        return ()

    lax.fori_loop(0, NCHUNK // RING - 1, outer, ())
    for b in range(RING):
        step(NCHUNK - RING + b, b)

    pltpu.make_async_copy(ent.at[sidx_v], sbuf, ssem).wait()
    sb = wid * TPW
    pltpu.sync_copy(sbuf.at[pl.ds(0, TPW)], h_out.at[pl.ds(sb, TPW)])
    pltpu.sync_copy(sbuf.at[pl.ds(TPW, TPW)], t_out.at[pl.ds(sb, TPW)])
    pltpu.make_async_copy(relt.at[ridx_v], rbuf, rsem).wait()
    pltpu.sync_copy(rbuf, rel_out.at[pl.ds(sb, TPW)])


@jax.jit
def _sc_gather(ent, relt, sidx, ridx, nidx):
    mesh = plsc.VectorSubcoreMesh(core_axis_name="c", subcore_axis_name="s")
    f = pl.kernel(
        _sc_gather_body,
        out_type=[
            jax.ShapeDtypeStruct((S * BP, E), jnp.float32),
            jax.ShapeDtypeStruct((S * BP, E), jnp.float32),
            jax.ShapeDtypeStruct((S * BP, E), jnp.float32),
            jax.ShapeDtypeStruct((S * BP * NN, E), jnp.float32),
        ],
        mesh=mesh,
        scratch_types=[
            pltpu.VMEM((2 * TPW,), jnp.int32),
            pltpu.VMEM((TPW,), jnp.int32),
            pltpu.VMEM((NCHUNK, C), jnp.int32),
            pltpu.VMEM((2 * TPW, E), jnp.float32),
            pltpu.VMEM((TPW, E), jnp.float32),
            pltpu.VMEM((RING, C, E), jnp.float32),
            pltpu.SemaphoreType.DMA,
            pltpu.SemaphoreType.DMA,
            pltpu.SemaphoreType.DMA,
            pltpu.SemaphoreType.DMA,
            pltpu.SemaphoreType.DMA,
            pltpu.SemaphoreType.DMA,
        ],
    )
    return f(ent, relt, sidx, ridx, nidx)


TB = 64
NTILE = BP // TB


def _softplus(x):
    return jnp.maximum(x, 0.0) + jnp.log1p(jnp.exp(-jnp.abs(x)))


def _score_body(h_ref, r_ref, t_ref, w_ref, neg_ref, pos_ref, ns_ref, loss_ref):
    i = pl.program_id(0)
    hr = h_ref[...] + r_ref[...]
    d = hr - t_ref[...]
    pos = MARGIN - jnp.sqrt(jnp.sum(d * d, axis=-1) + 1e-12)
    pos_ref[...] = pos

    neg = neg_ref[...]
    nh = jnp.sum(hr * hr, axis=-1)
    nn = jnp.sum(neg * neg, axis=-1)
    dots = lax.dot_general(hr, neg, (((2,), (2,)), ((0,), (0,))),
                           preferred_element_type=jnp.float32)
    ns_sq = nh[:, :, None] + nn[:, None, :] - 2.0 * dots
    ns = MARGIN - jnp.sqrt(jnp.maximum(ns_sq, 0.0) + 1e-12)
    ns_ref[...] = ns.transpose(1, 0, 2)

    w = w_ref[...]
    acc = jnp.sum(w * _softplus(-pos))
    acc += jnp.sum(w * jnp.mean(_softplus(ns), axis=-1))

    @pl.when(i == 0)
    def _():
        loss_ref[...] = jnp.zeros((1, 1), jnp.float32)
    loss_ref[...] += 0.5 * acc.reshape(1, 1)


@jax.jit
def _score(h4, r4, t4, w4, neg3):
    grid = (NTILE,)
    pos, ns, loss = pl.pallas_call(
        _score_body,
        grid=grid,
        in_specs=[
            pl.BlockSpec((TB, S, E), lambda i: (i, 0, 0)),
            pl.BlockSpec((TB, S, E), lambda i: (i, 0, 0)),
            pl.BlockSpec((TB, S, E), lambda i: (i, 0, 0)),
            pl.BlockSpec((TB, S), lambda i: (i, 0)),
            pl.BlockSpec((TB, S * NN, E), lambda i: (i, 0, 0)),
        ],
        out_specs=[
            pl.BlockSpec((TB, S), lambda i: (i, 0)),
            pl.BlockSpec((S, TB, S * NN), lambda i: (0, i, 0)),
            pl.BlockSpec((1, 1), lambda i: (0, 0)),
        ],
        out_shape=[
            jax.ShapeDtypeStruct((BP, S), jnp.float32),
            jax.ShapeDtypeStruct((S, BP, S * NN), jnp.float32),
            jax.ShapeDtypeStruct((1, 1), jnp.float32),
        ],
        compiler_params=pltpu.CompilerParams(
            dimension_semantics=("arbitrary",),
        ),
    )(h4, r4, t4, w4, neg3)
    return pos, ns, loss


def kernel(head, relation, tail, negative, triple_weight, entity_embedding,
           relation_embedding):
    head = head[0]
    relation = relation[0]
    tail = tail[0]
    negative = negative[0]
    w = triple_weight[0]

    ent = entity_embedding.reshape(S * ME, E)

    offs = (jnp.arange(S, dtype=jnp.int32) * ME)
    neg_flat = negative.reshape(S, B * NN)
    idx_in = jnp.concatenate([tail, neg_flat], axis=1)
    chunk = (B + B * NN) // S
    g = idx_in.reshape(S, S, chunk) + offs[:, None, None]
    out_idx = g.transpose(1, 0, 2).reshape(S, B + B * NN)
    t_idx = out_idx[:, :B].transpose(1, 0).reshape(-1)
    neg_idx = out_idx[:, B:].reshape(S, B, NN).transpose(1, 0, 2).reshape(-1)
    h_idx = (head + offs[:, None]).transpose(1, 0).reshape(-1)

    h_p = h_idx.reshape(P, NW, TPW)
    t_p = t_idx.reshape(P, NW, TPW)
    r_p = relation.transpose(1, 0).reshape(P, NW, TPW)
    n_p = neg_idx.reshape(P, NW, NCHUNK, C)
    w_p = w.transpose(1, 0).reshape(P, BP, S)

    gathered = [
        _sc_gather(ent, relation_embedding,
                   jnp.concatenate([h_p[p], t_p[p]], axis=1),
                   r_p[p], n_p[p])
        for p in range(P)
    ]

    poss, nss, losses = [], [], []
    for p in range(P):
        h_rows, t_rows, rel_rows, neg_rows = gathered[p]
        pos, ns, loss = _score(h_rows.reshape(BP, S, E),
                               rel_rows.reshape(BP, S, E),
                               t_rows.reshape(BP, S, E),
                               w_p[p],
                               neg_rows.reshape(BP, S * NN, E))
        poss.append(pos)
        nss.append(ns)
        losses.append(loss[0, 0])

    pos = jnp.concatenate(poss, axis=0)
    ns = jnp.concatenate(nss, axis=1)
    positive_score = pos.transpose(1, 0).reshape(S * B)
    negative_score = ns.reshape(S * B, S * NN)
    return (sum(losses), positive_score, negative_score)

# --- scband reference (transcript-rebuilt; emitter-appended) ---
"""Pipeline reference for scband-bess-kge-22797686407244 (READ-ONLY COPY).

The authoritative reference and input builder live on the scoring server;
editing this copy changes nothing except your own understanding.
"""

import jax, jax.numpy as jnp
import numpy as np

N_SHARD = 4
MAX_ENT = 100000
EMB = 128
N_REL = 1000
B = 512
N_NEG = 64
MARGIN = 1.0


def setup_inputs(seed: int = 0) -> dict:
    key = jax.random.key(seed)
    ks = jax.random.split(key, 7)
    emb_range = MARGIN / EMB
    head = jax.random.randint(ks[0], (1, N_SHARD, B), 0, MAX_ENT, dtype=jnp.int32)
    relation = jax.random.randint(ks[1], (1, N_SHARD, B), 0, N_REL, dtype=jnp.int32)
    tail = jax.random.randint(ks[2], (1, N_SHARD, B), 0, MAX_ENT, dtype=jnp.int32)
    negative = jax.random.randint(ks[3], (1, N_SHARD, B, N_NEG), 0, MAX_ENT, dtype=jnp.int32)
    triple_weight = jax.random.uniform(ks[4], (1, N_SHARD, B), dtype=jnp.float32)
    entity_embedding = jax.random.uniform(ks[5], (N_SHARD, MAX_ENT, EMB), dtype=jnp.float32, minval=-emb_range, maxval=emb_range)
    relation_embedding = jax.random.uniform(ks[6], (N_REL, EMB), dtype=jnp.float32, minval=-emb_range, maxval=emb_range)
    return {"head": head, "relation": relation, "tail": tail, "negative": negative, "triple_weight": triple_weight, "entity_embedding": entity_embedding, "relation_embedding": relation_embedding}


def _all_to_all(x):
    # x: [S, L, E], L % S == 0; swap shard <-> block dims (simulated all-to-all)
    S, L, E = x.shape
    return x.reshape(S, S, L // S, E).transpose(1, 0, 2, 3).reshape(S, L, E)


def _score_triple(h, r, t):
    # TransE: margin - ||h + r - t||_2
    return MARGIN - jnp.sqrt(jnp.sum((h + r - t) ** 2, axis=-1) + 1e-12)


def _score_tails(h, r, neg):
    # negative sample sharing: h,r: [S*B, E]; neg: [B, Ntot, E]
    hr = (h + r).reshape(N_SHARD, B, EMB)
    d = hr[:, :, None, :] - neg[None, :, :, :]
    return (MARGIN - jnp.sqrt(jnp.sum(d ** 2, axis=-1) + 1e-12)).reshape(N_SHARD * B, -1)


def reference(head, relation, tail, negative, triple_weight, entity_embedding, relation_embedding):
    # squeeze leading dim (poptorch replica dim)
    head = head[0]
    relation = relation[0]
    tail = tail[0]
    negative = negative[0]
    triple_weight = triple_weight[0]

    rel_emb = relation_embedding[relation]  # [S, B, E]
    neg_flat = negative.reshape(N_SHARD, -1)  # [S, B*N_NEG]
    gather_idx = jnp.concatenate([head, tail, neg_flat], axis=1)  # [S, L]
    gathered = jnp.take_along_axis(entity_embedding, gather_idx[:, :, None], axis=1)  # [S, L, E]
    head_emb = gathered[:, :B, :]
    tail_and_neg = gathered[:, B:, :]
    # corruption scheme 't', local_sampling=False: all-to-all tail+negative together
    tail_and_neg = _all_to_all(tail_and_neg)
    tail_emb = tail_and_neg[:, :B, :]
    neg_emb = tail_and_neg[:, B:, :]
    neg_emb = neg_emb.reshape(N_SHARD, B, N_NEG, EMB).transpose(1, 0, 2, 3).reshape(B, N_SHARD * N_NEG, EMB)

    h_flat = head_emb.reshape(-1, EMB)
    r_flat = rel_emb.reshape(-1, EMB)
    t_flat = tail_emb.reshape(-1, EMB)
    positive_score = _score_triple(h_flat, r_flat, t_flat)  # [S*B]
    negative_score = _score_tails(h_flat, r_flat, neg_emb)  # [S*B, S*N_NEG]

    w = triple_weight.reshape(-1)
    pos_loss = -jax.nn.log_sigmoid(positive_score)
    neg_loss = -jnp.mean(jax.nn.log_sigmoid(-negative_score), axis=-1)
    loss = jnp.sum(w * (pos_loss + neg_loss) / 2.0)
    return (loss, positive_score, negative_score)


if False:  # reference __main__ guard neutralized (emitter)
    out = reference(**setup_inputs())
    print(out[0], out[1].shape, out[2].shape)

if __name__ == "__main__":
    import jax
    _d = setup_inputs()
    print(jax.jit(kernel)(*tuple(_d.values())))

</pallas_src>

<mosaic_0001>
#map = affine_map<(d0, d1) -> (0, 0)>
#map1 = affine_map<(d0, d1) -> (0, 0, 0)>
module attributes {stable_mosaic.version = 14 : i64} {
  func.func @_sc_gather_body(%arg0: i32, %arg1: i32, %arg2: memref<400000x128xf32, #tpu.memory_space<hbm>>, %arg3: memref<1000x128xf32, #tpu.memory_space<hbm>>, %arg4: memref<32x64xi32, #tpu.memory_space<hbm>>, %arg5: memref<32x32xi32, #tpu.memory_space<hbm>>, %arg6: memref<32x16x128xi32, #tpu.memory_space<hbm>>, %arg7: memref<1024x128xf32, #tpu.memory_space<hbm>>, %arg8: memref<1024x128xf32, #tpu.memory_space<hbm>>, %arg9: memref<1024x128xf32, #tpu.memory_space<hbm>>, %arg10: memref<65536x128xf32, #tpu.memory_space<hbm>>, %arg11: memref<64xi32, #tpu.memory_space<vmem>>, %arg12: memref<32xi32, #tpu.memory_space<vmem>>, %arg13: memref<16x128xi32, #tpu.memory_space<vmem>>, %arg14: memref<64x128xf32, #tpu.memory_space<vmem>>, %arg15: memref<32x128xf32, #tpu.memory_space<vmem>>, %arg16: memref<4x128x128xf32, #tpu.memory_space<vmem>>, %arg17: memref<!tpu.dma_semaphore, #tpu.memory_space<semaphore_mem>>, %arg18: memref<!tpu.dma_semaphore, #tpu.memory_space<semaphore_mem>>, %arg19: memref<!tpu.dma_semaphore, #tpu.memory_space<semaphore_mem>>, %arg20: memref<!tpu.dma_semaphore, #tpu.memory_space<semaphore_mem>>, %arg21: memref<!tpu.dma_semaphore, #tpu.memory_space<semaphore_mem>>, %arg22: memref<!tpu.dma_semaphore, #tpu.memory_space<semaphore_mem>>) attributes {dimension_semantics = [#tpu.dimension_semantics<core_parallel>, #tpu.dimension_semantics<subcore_parallel>], iteration_bounds = array<i64: 2, 16>, scalar_prefetch = 0 : i64, scratch_operands = 12 : i64, tpu.core_type = #tpu.core_type<sc_vector_subcore>, window_params = [{transform_indices = #map}, {transform_indices = #map}, {transform_indices = #map}, {transform_indices = #map}, {transform_indices = #map1}, {transform_indices = #map}, {transform_indices = #map}, {transform_indices = #map}, {transform_indices = #map}]} {
    %mul3A = arith.constant 2 : i32
    %mul3A_0 = arith.muli %arg1, %mul3A : i32
    %add3A = arith.addi %mul3A_0, %arg0 : i32
    "tpu.region"() ({
      %run_scoped3A_126 = tpu.sem_alloc : memref<!tpu.dma_semaphore, #tpu.memory_space<semaphore_mem>>
      %dma_start3A_127 = arith.constant 0 : i32
      %dma_start3A_128 = arith.constant 0 : i32
      %dma_start3A_129 = tpu.memref_slice %arg6[%add3A, %dma_start3A_127, %dma_start3A_128] : memref<32x16x128xi32, #tpu.memory_space<hbm>> -> memref<1x16x128xi32, #tpu.memory_space<hbm>>
      %dma_start3A_130 = tpu.memref_squeeze %dma_start3A_129 : memref<1x16x128xi32, #tpu.memory_space<hbm>> -> memref<16x128xi32, #tpu.memory_space<hbm>>
      %dma_start3A_131 = arith.constant 0 : i32
      %dma_start3A_132 = arith.constant 0 : i32
      %dma_start3A_133 = tpu.memref_slice %arg6[%add3A, %dma_start3A_131, %dma_start3A_132] : memref<32x16x128xi32, #tpu.memory_space<hbm>> -> memref<1x16x128xi32, #tpu.memory_space<hbm>>
      %dma_start3A_134 = tpu.memref_squeeze %dma_start3A_133 : memref<1x16x128xi32, #tpu.memory_space<hbm>> -> memref<16x128xi32, #tpu.memory_space<hbm>>
      tpu.enqueue_dma source(%dma_start3A_134 : memref<16x128xi32, #tpu.memory_space<hbm>>) target(%arg13 : memref<16x128xi32, #tpu.memory_space<vmem>>) target_semaphore(%run_scoped3A_126 : memref<!tpu.dma_semaphore, #tpu.memory_space<semaphore_mem>>)
      %dma_wait3A_135 = arith.constant 0 : i32
      %dma_wait3A_136 = arith.constant 0 : i32
      %dma_wait3A_137 = tpu.memref_slice %arg6[%add3A, %dma_wait3A_135, %dma_wait3A_136] : memref<32x16x128xi32, #tpu.memory_space<hbm>> -> memref<1x16x128xi32, #tpu.memory_space<hbm>>
      %dma_wait3A_138 = tpu.memref_squeeze %dma_wait3A_137 : memref<1x16x128xi32, #tpu.memory_space<hbm>> -> memref<16x128xi32, #tpu.memory_space<hbm>>
      %dma_wait3A_139 = arith.constant 0 : i32
      %dma_wait3A_140 = arith.constant 0 : i32
      %dma_wait3A_141 = tpu.memref_slice %arg6[%add3A, %dma_wait3A_139, %dma_wait3A_140] : memref<32x16x128xi32, #tpu.memory_space<hbm>> -> memref<1x16x128xi32, #tpu.memory_space<hbm>>
      %dma_wait3A_142 = tpu.memref_squeeze %dma_wait3A_141 : memref<1x16x128xi32, #tpu.memory_space<hbm>> -> memref<16x128xi32, #tpu.memory_space<hbm>>
      tpu.wait_dma2 semaphore(%run_scoped3A_126 : memref<!tpu.dma_semaphore, #tpu.memory_space<semaphore_mem>>) src(%dma_wait3A_142 : memref<16x128xi32, #tpu.memory_space<hbm>>) dst(%arg13 : memref<16x128xi32, #tpu.memory_space<vmem>>)
      tpu.yield
    }) : () -> ()
    "tpu.region"() ({
      %run_scoped3A_126 = tpu.sem_alloc : memref<!tpu.dma_semaphore, #tpu.memory_space<semaphore_mem>>
      %dma_start3A_127 = arith.constant 0 : i32
      %dma_start3A_128 = tpu.memref_slice %arg4[%add3A, %dma_start3A_127] : memref<32x64xi32, #tpu.memory_space<hbm>> -> memref<1x64xi32, #tpu.memory_space<hbm>>
      %dma_start3A_129 = tpu.memref_squeeze %dma_start3A_128 : memref<1x64xi32, #tpu.memory_space<hbm>> -> memref<64xi32, #tpu.memory_space<hbm>>
      %dma_start3A_130 = arith.constant 0 : i32
      %dma_start3A_131 = tpu.memref_slice %arg4[%add3A, %dma_start3A_130] : memref<32x64xi32, #tpu.memory_space<hbm>> -> memref<1x64xi32, #tpu.memory_space<hbm>>
      %dma_start3A_132 = tpu.memref_squeeze %dma_start3A_131 : memref<1x64xi32, #tpu.memory_space<hbm>> -> memref<64xi32, #tpu.memory_space<hbm>>
      tpu.enqueue_dma source(%dma_start3A_132 : memref<64xi32, #tpu.memory_space<hbm>>) target(%arg11 : memref<64xi32, #tpu.memory_space<vmem>>) target_semaphore(%run_scoped3A_126 : memref<!tpu.dma_semaphore, #tpu.memory_space<semaphore_mem>>)
      %dma_wait3A_133 = arith.constant 0 : i32
      %dma_wait3A_134 = tpu.memref_slice %arg4[%add3A, %dma_wait3A_133] : memref<32x64xi32, #tpu.memory_space<hbm>> -> memref<1x64xi32, #tpu.memory_space<hbm>>
      %dma_wait3A_135 = tpu.memref_squeeze %dma_wait3A_134 : memref<1x64xi32, #tpu.memory_space<hbm>> -> memref<64xi32, #tpu.memory_space<hbm>>
      %dma_wait3A_136 = arith.constant 0 : i32
      %dma_wait3A_137 = tpu.memref_slice %arg4[%add3A, %dma_wait3A_136] : memref<32x64xi32, #tpu.memory_space<hbm>> -> memref<1x64xi32, #tpu.memory_space<hbm>>
      %dma_wait3A_138 = tpu.memref_squeeze %dma_wait3A_137 : memref<1x64xi32, #tpu.memory_space<hbm>> -> memref<64xi32, #tpu.memory_space<hbm>>
      tpu.wait_dma2 semaphore(%run_scoped3A_126 : memref<!tpu.dma_semaphore, #tpu.memory_space<semaphore_mem>>) src(%dma_wait3A_138 : memref<64xi32, #tpu.memory_space<hbm>>) dst(%arg11 : memref<64xi32, #tpu.memory_space<vmem>>)
      tpu.yield
    }) : () -> ()
    "tpu.region"() ({
      %run_scoped3A_126 = tpu.sem_alloc : memref<!tpu.dma_semaphore, #tpu.memory_space<semaphore_mem>>
      %dma_start3A_127 = arith.constant 0 : i32
      %dma_start3A_128 = tpu.memref_slice %arg5[%add3A, %dma_start3A_127] : memref<32x32xi32, #tpu.memory_space<hbm>> -> memref<1x32xi32, #tpu.memory_space<hbm>>
      %dma_start3A_129 = tpu.memref_squeeze %dma_start3A_128 : memref<1x32xi32, #tpu.memory_space<hbm>> -> memref<32xi32, #tpu.memory_space<hbm>>
      %dma_start3A_130 = arith.constant 0 : i32
      %dma_start3A_131 = tpu.memref_slice %arg5[%add3A, %dma_start3A_130] : memref<32x32xi32, #tpu.memory_space<hbm>> -> memref<1x32xi32, #tpu.memory_space<hbm>>
      %dma_start3A_132 = tpu.memref_squeeze %dma_start3A_131 : memref<1x32xi32, #tpu.memory_space<hbm>> -> memref<32xi32, #tpu.memory_space<hbm>>
      tpu.enqueue_dma source(%dma_start3A_132 : memref<32xi32, #tpu.memory_space<hbm>>) target(%arg12 : memref<32xi32, #tpu.memory_space<vmem>>) target_semaphore(%run_scoped3A_126 : memref<!tpu.dma_semaphore, #tpu.memory_space<semaphore_mem>>)
      %dma_wait3A_133 = arith.constant 0 : i32
      %dma_wait3A_134 = tpu.memref_slice %arg5[%add3A, %dma_wait3A_133] : memref<32x32xi32, #tpu.memory_space<hbm>> -> memref<1x32xi32, #tpu.memory_space<hbm>>
      %dma_wait3A_135 = tpu.memref_squeeze %dma_wait3A_134 : memref<1x32xi32, #tpu.memory_space<hbm>> -> memref<32xi32, #tpu.memory_space<hbm>>
      %dma_wait3A_136 = arith.constant 0 : i32
      %dma_wait3A_137 = tpu.memref_slice %arg5[%add3A, %dma_wait3A_136] : memref<32x32xi32, #tpu.memory_space<hbm>> -> memref<1x32xi32, #tpu.memory_space<hbm>>
      %dma_wait3A_138 = tpu.memref_squeeze %dma_wait3A_137 : memref<1x32xi32, #tpu.memory_space<hbm>> -> memref<32xi32, #tpu.memory_space<hbm>>
      tpu.wait_dma2 semaphore(%run_scoped3A_126 : memref<!tpu.dma_semaphore, #tpu.memory_space<semaphore_mem>>) src(%dma_wait3A_138 : memref<32xi32, #tpu.memory_space<hbm>>) dst(%arg12 : memref<32xi32, #tpu.memory_space<vmem>>)
      tpu.yield
    }) : () -> ()
    %dma_start3A = arith.constant 0 : i32
    %dma_start3A_1 = arith.constant 0 : i32
    %dma_start3A_2 = arith.constant 0 : i32
    %dma_start3A_3 = arith.constant 0 : i32
    %dma_start3A_4 = tpu.memref_slice %arg16[%dma_start3A_1, %dma_start3A_2, %dma_start3A_3] : memref<4x128x128xf32, #tpu.memory_space<vmem>> -> memref<1x128x128xf32, #tpu.memory_space<vmem>>
    %dma_start3A_5 = tpu.memref_squeeze %dma_start3A_4 : memref<1x128x128xf32, #tpu.memory_space<vmem>> -> memref<128x128xf32, #tpu.memory_space<vmem>>
    %dma_start3A_6 = arith.constant 0 : i32
    %dma_start3A_7 = tpu.memref_slice %arg13[%dma_start3A, %dma_start3A_6] : memref<16x128xi32, #tpu.memory_space<vmem>> -> memref<1x128xi32, #tpu.memory_space<vmem>>
    %dma_start3A_8 = tpu.memref_squeeze %dma_start3A_7 : memref<1x128xi32, #tpu.memory_space<vmem>> -> memref<128xi32, #tpu.memory_space<vmem>>
    %dma_start3A_9 = arith.constant 0 : i32
    %dma_start3A_10 = arith.constant 0 : i32
    %dma_start3A_11 = tpu.memref_slice %arg2[%dma_start3A_9, %dma_start3A_10] : memref<400000x128xf32, #tpu.memory_space<hbm>> -> memref<400000x128xf32, #tpu.memory_space<hbm>>
    tpu.enqueue_indirect_dma source(%dma_start3A_11 : memref<400000x128xf32, #tpu.memory_space<hbm>>) target(%dma_start3A_5 : memref<128x128xf32, #tpu.memory_space<vmem>>) offsets(%dma_start3A_8 : memref<128xi32, #tpu.memory_space<vmem>>) semaphore(%arg19 : memref<!tpu.dma_semaphore, #tpu.memory_space<semaphore_mem>>)
    %dma_start3A_12 = arith.constant 1 : i32
    %dma_start3A_13 = arith.constant 1 : i32
    %dma_start3A_14 = arith.constant 0 : i32
    %dma_start3A_15 = arith.constant 0 : i32
    %dma_start3A_16 = tpu.memref_slice %arg16[%dma_start3A_13, %dma_start3A_14, %dma_start3A_15] : memref<4x128x128xf32, #tpu.memory_space<vmem>> -> memref<1x128x128xf32, #tpu.memory_space<vmem>>
    %dma_start3A_17 = tpu.memref_squeeze %dma_start3A_16 : memref<1x128x128xf32, #tpu.memory_space<vmem>> -> memref<128x128xf32, #tpu.memory_space<vmem>>
    %dma_start3A_18 = arith.constant 0 : i32
    %dma_start3A_19 = tpu.memref_slice %arg13[%dma_start3A_12, %dma_start3A_18] : memref<16x128xi32, #tpu.memory_space<vmem>> -> memref<1x128xi32, #tpu.memory_space<vmem>>
    %dma_start3A_20 = tpu.memref_squeeze %dma_start3A_19 : memref<1x128xi32, #tpu.memory_space<vmem>> -> memref<128xi32, #tpu.memory_space<vmem>>
    %dma_start3A_21 = arith.constant 0 : i32
    %dma_start3A_22 = arith.constant 0 : i32
    %dma_start3A_23 = tpu.memref_slice %arg2[%dma_start3A_21, %dma_start3A_22] : memref<400000x128xf32, #tpu.memory_space<hbm>> -> memref<400000x128xf32, #tpu.memory_space<hbm>>
    tpu.enqueue_indirect_dma source(%dma_start3A_23 : memref<400000x128xf32, #tpu.memory_space<hbm>>) target(%dma_start3A_17 : memref<128x128xf32, #tpu.memory_space<vmem>>) offsets(%dma_start3A_20 : memref<128xi32, #tpu.memory_space<vmem>>) semaphore(%arg20 : memref<!tpu.dma_semaphore, #tpu.memory_space<semaphore_mem>>)
    %dma_start3A_24 = arith.constant 2 : i32
    %dma_start3A_25 = arith.constant 2 : i32
    %dma_start3A_26 = arith.constant 0 : i32
    %dma_start3A_27 = arith.constant 0 : i32
    %dma_start3A_28 = tpu.memref_slice %arg16[%dma_start3A_25, %dma_start3A_26, %dma_start3A_27] : memref<4x128x128xf32, #tpu.memory_space<vmem>> -> memref<1x128x128xf32, #tpu.memory_space<vmem>>
    %dma_start3A_29 = tpu.memref_squeeze %dma_start3A_28 : memref<1x128x128xf32, #tpu.memory_space<vmem>> -> memref<128x128xf32, #tpu.memory_space<vmem>>
    %dma_start3A_30 = arith.constant 0 : i32
    %dma_start3A_31 = tpu.memref_slice %arg13[%dma_start3A_24, %dma_start3A_30] : memref<16x128xi32, #tpu.memory_space<vmem>> -> memref<1x128xi32, #tpu.memory_space<vmem>>
    %dma_start3A_32 = tpu.memref_squeeze %dma_start3A_31 : memref<1x128xi32, #tpu.memory_space<vmem>> -> memref<128xi32, #tpu.memory_space<vmem>>
    %dma_start3A_33 = arith.constant 0 : i32
    %dma_start3A_34 = arith.constant 0 : i32
    %dma_start3A_35 = tpu.memref_slice %arg2[%dma_start3A_33, %dma_start3A_34] : memref<400000x128xf32, #tpu.memory_space<hbm>> -> memref<400000x128xf32, #tpu.memory_space<hbm>>
    tpu.enqueue_indirect_dma source(%dma_start3A_35 : memref<400000x128xf32, #tpu.memory_space<hbm>>) target(%dma_start3A_29 : memref<128x128xf32, #tpu.memory_space<vmem>>) offsets(%dma_start3A_32 : memref<128xi32, #tpu.memory_space<vmem>>) semaphore(%arg21 : memref<!tpu.dma_semaphore, #tpu.memory_space<semaphore_mem>>)
    %dma_start3A_36 = arith.constant 3 : i32
    %dma_start3A_37 = arith.constant 3 : i32
    %dma_start3A_38 = arith.constant 0 : i32
    %dma_start3A_39 = arith.constant 0 : i32
    %dma_start3A_40 = tpu.memref_slice %arg16[%dma_start3A_37, %dma_start3A_38, %dma_start3A_39] : memref<4x128x128xf32, #tpu.memory_space<vmem>> -> memref<1x128x128xf32, #tpu.memory_space<vmem>>
    %dma_start3A_41 = tpu.memref_squeeze %dma_start3A_40 : memref<1x128x128xf32, #tpu.memory_space<vmem>> -> memref<128x128xf32, #tpu.memory_space<vmem>>
    %dma_start3A_42 = arith.constant 0 : i32
    %dma_start3A_43 = tpu.memref_slice %arg13[%dma_start3A_36, %dma_start3A_42] : memref<16x128xi32, #tpu.memory_space<vmem>> -> memref<1x128xi32, #tpu.memory_space<vmem>>
    %dma_start3A_44 = tpu.memref_squeeze %dma_start3A_43 : memref<1x128xi32, #tpu.memory_space<vmem>> -> memref<128xi32, #tpu.memory_space<vmem>>
    %dma_start3A_45 = arith.constant 0 : i32
    %dma_start3A_46 = arith.constant 0 : i32
    %dma_start3A_47 = tpu.memref_slice %arg2[%dma_start3A_45, %dma_start3A_46] : memref<400000x128xf32, #tpu.memory_space<hbm>> -> memref<400000x128xf32, #tpu.memory_space<hbm>>
    tpu.enqueue_indirect_dma source(%dma_start3A_47 : memref<400000x128xf32, #tpu.memory_space<hbm>>) target(%dma_start3A_41 : memref<128x128xf32, #tpu.memory_space<vmem>>) offsets(%dma_start3A_44 : memref<128xi32, #tpu.memory_space<vmem>>) semaphore(%arg22 : memref<!tpu.dma_semaphore, #tpu.memory_space<semaphore_mem>>)
    %dma_start3A_48 = arith.constant 0 : i32
    %dma_start3A_49 = arith.constant 0 : i32
    %dma_start3A_50 = tpu.memref_slice %arg2[%dma_start3A_48, %dma_start3A_49] : memref<400000x128xf32, #tpu.memory_space<hbm>> -> memref<400000x128xf32, #tpu.memory_space<hbm>>
    tpu.enqueue_indirect_dma source(%dma_start3A_50 : memref<400000x128xf32, #tpu.memory_space<hbm>>) target(%arg14 : memref<64x128xf32, #tpu.memory_space<vmem>>) offsets(%arg11 : memref<64xi32, #tpu.memory_space<vmem>>) semaphore(%arg17 : memref<!tpu.dma_semaphore, #tpu.memory_space<semaphore_mem>>)
    %dma_start3A_51 = arith.constant 0 : i32
    %dma_start3A_52 = arith.constant 0 : i32
    %dma_start3A_53 = tpu.memref_slice %arg3[%dma_start3A_51, %dma_start3A_52] : memref<1000x128xf32, #tpu.memory_space<hbm>> -> memref<1000x128xf32, #tpu.memory_space<hbm>>
    tpu.enqueue_indirect_dma source(%dma_start3A_53 : memref<1000x128xf32, #tpu.memory_space<hbm>>) target(%arg15 : memref<32x128xf32, #tpu.memory_space<vmem>>) offsets(%arg12 : memref<32xi32, #tpu.memory_space<vmem>>) semaphore(%arg18 : memref<!tpu.dma_semaphore, #tpu.memory_space<semaphore_mem>>)
    %mul3A_54 = arith.constant 2048 : i32
    %mul3A_55 = arith.muli %add3A, %mul3A_54 : i32
    %scan3A = arith.constant 0 : i32
    %scan3A_56 = arith.constant 3 : i32
    %scan3A_57 = arith.addi %scan3A, %scan3A_56 : i32
    %scan3A_58 = arith.constant 1 : i32
    scf.for %scan3A_126 = %scan3A to %scan3A_57 step %scan3A_58  : i32 {
      %mul3A_127 = arith.constant 4 : i32
      %mul3A_128 = arith.muli %scan3A_126, %mul3A_127 : i32
      %add3A_129 = arith.constant 0 : i32
      %add3A_130 = arith.addi %mul3A_128, %add3A_129 : i32
      %dma_wait3A_131 = arith.constant 0 : i32
      %dma_wait3A_132 = arith.constant 0 : i32
      %dma_wait3A_133 = arith.constant 0 : i32
      %dma_wait3A_134 = tpu.memref_slice %arg16[%dma_wait3A_131, %dma_wait3A_132, %dma_wait3A_133] : memref<4x128x128xf32, #tpu.memory_space<vmem>> -> memref<1x128x128xf32, #tpu.memory_space<vmem>>
      %dma_wait3A_135 = tpu.memref_squeeze %dma_wait3A_134 : memref<1x128x128xf32, #tpu.memory_space<vmem>> -> memref<128x128xf32, #tpu.memory_space<vmem>>
      %dma_wait3A_136 = arith.constant 0 : i32
      %dma_wait3A_137 = tpu.memref_slice %arg13[%add3A_130, %dma_wait3A_136] : memref<16x128xi32, #tpu.memory_space<vmem>> -> memref<1x128xi32, #tpu.memory_space<vmem>>
      %dma_wait3A_138 = tpu.memref_squeeze %dma_wait3A_137 : memref<1x128xi32, #tpu.memory_space<vmem>> -> memref<128xi32, #tpu.memory_space<vmem>>
      %dma_wait3A_139 = arith.constant 0 : i32
      %dma_wait3A_140 = arith.constant 0 : i32
      %dma_wait3A_141 = tpu.memref_slice %arg2[%dma_wait3A_139, %dma_wait3A_140] : memref<400000x128xf32, #tpu.memory_space<hbm>> -> memref<400000x128xf32, #tpu.memory_space<hbm>>
      tpu.wait_indirect_dma semaphore(%arg19 : memref<!tpu.dma_semaphore, #tpu.memory_space<semaphore_mem>>) src(%dma_wait3A_141 : memref<400000x128xf32, #tpu.memory_space<hbm>>) dst(%dma_wait3A_135 : memref<128x128xf32, #tpu.memory_space<vmem>>)
      %mul3A_142 = arith.constant 128 : i32
      %mul3A_143 = arith.muli %add3A_130, %mul3A_142 : i32
      %add3A_144 = arith.addi %mul3A_55, %mul3A_143 : i32
      %run_scoped3A_145 = arith.constant 0 : i32
      "tpu.region"() ({
        %run_scoped3A_255 = tpu.sem_alloc : memref<!tpu.dma_semaphore, #tpu.memory_space<semaphore_mem>>
        %dma_start3A_256 = arith.constant 0 : i32
        %dma_start3A_257 = arith.constant 0 : i32
        %dma_start3A_258 = tpu.memref_slice %arg16[%run_scoped3A_145, %dma_start3A_256, %dma_start3A_257] : memref<4x128x128xf32, #tpu.memory_space<vmem>> -> memref<1x128x128xf32, #tpu.memory_space<vmem>>
        %dma_start3A_259 = tpu.memref_squeeze %dma_start3A_258 : memref<1x128x128xf32, #tpu.memory_space<vmem>> -> memref<128x128xf32, #tpu.memory_space<vmem>>
        %dma_start3A_260 = arith.constant 0 : i32
        %dma_start3A_261 = tpu.memref_slice %arg10[%add3A_144, %dma_start3A_260] : memref<65536x128xf32, #tpu.memory_space<hbm>> -> memref<128x128xf32, #tpu.memory_space<hbm>>
        %dma_start3A_262 = arith.constant 0 : i32
        %dma_start3A_263 = tpu.memref_slice %arg10[%add3A_144, %dma_start3A_262] : memref<65536x128xf32, #tpu.memory_space<hbm>> -> memref<128x128xf32, #tpu.memory_space<hbm>>
        %dma_start3A_264 = arith.constant 0 : i32
        %dma_start3A_265 = arith.constant 0 : i32
        %dma_start3A_266 = tpu.memref_slice %arg16[%run_scoped3A_145, %dma_start3A_264, %dma_start3A_265] : memref<4x128x128xf32, #tpu.memory_space<vmem>> -> memref<1x128x128xf32, #tpu.memory_space<vmem>>
        %dma_start3A_267 = tpu.memref_squeeze %dma_start3A_266 : memref<1x128x128xf32, #tpu.memory_space<vmem>> -> memref<128x128xf32, #tpu.memory_space<vmem>>
        tpu.enqueue_dma source(%dma_start3A_267 : memref<128x128xf32, #tpu.memory_space<vmem>>) target(%dma_start3A_263 : memref<128x128xf32, #tpu.memory_space<hbm>>) target_semaphore(%run_scoped3A_255 : memref<!tpu.dma_semaphore, #tpu.memory_space<semaphore_mem>>)
        %dma_wait3A_268 = arith.constant 0 : i32
        %dma_wait3A_269 = arith.constant 0 : i32
        %dma_wait3A_270 = tpu.memref_slice %arg16[%run_scoped3A_145, %dma_wait3A_268, %dma_wait3A_269] : memref<4x128x128xf32, #tpu.memory_space<vmem>> -> memref<1x128x128xf32, #tpu.memory_space<vmem>>
        %dma_wait3A_271 = tpu.memref_squeeze %dma_wait3A_270 : memref<1x128x128xf32, #tpu.memory_space<vmem>> -> memref<128x128xf32, #tpu.memory_space<vmem>>
        %dma_wait3A_272 = arith.constant 0 : i32
        %dma_wait3A_273 = tpu.memref_slice %arg10[%add3A_144, %dma_wait3A_272] : memref<65536x128xf32, #tpu.memory_space<hbm>> -> memref<128x128xf32, #tpu.memory_space<hbm>>
        %dma_wait3A_274 = arith.constant 0 : i32
        %dma_wait3A_275 = tpu.memref_slice %arg10[%add3A_144, %dma_wait3A_274] : memref<65536x128xf32, #tpu.memory_space<hbm>> -> memref<128x128xf32, #tpu.memory_space<hbm>>
        %dma_wait3A_276 = arith.constant 0 : i32
        %dma_wait3A_277 = arith.constant 0 : i32
        %dma_wait3A_278 = tpu.memref_slice %arg16[%run_scoped3A_145, %dma_wait3A_276, %dma_wait3A_277] : memref<4x128x128xf32, #tpu.memory_space<vmem>> -> memref<1x128x128xf32, #tpu.memory_space<vmem>>
        %dma_wait3A_279 = tpu.memref_squeeze %dma_wait3A_278 : memref<1x128x128xf32, #tpu.memory_space<vmem>> -> memref<128x128xf32, #tpu.memory_space<vmem>>
        tpu.wait_dma2 semaphore(%run_scoped3A_255 : memref<!tpu.dma_semaphore, #tpu.memory_space<semaphore_mem>>) src(%dma_wait3A_279 : memref<128x128xf32, #tpu.memory_space<vmem>>) dst(%dma_wait3A_275 : memref<128x128xf32, #tpu.memory_space<hbm>>)
        tpu.yield
      }) : () -> ()
      %add3A_146 = arith.constant 4 : i32
      %add3A_147 = arith.addi %add3A_130, %add3A_146 : i32
      %dma_start3A_148 = arith.constant 0 : i32
      %dma_start3A_149 = arith.constant 0 : i32
      %dma_start3A_150 = arith.constant 0 : i32
      %dma_start3A_151 = tpu.memref_slice %arg16[%dma_start3A_148, %dma_start3A_149, %dma_start3A_150] : memref<4x128x128xf32, #tpu.memory_space<vmem>> -> memref<1x128x128xf32, #tpu.memory_space<vmem>>
      %dma_start3A_152 = tpu.memref_squeeze %dma_start3A_151 : memref<1x128x128xf32, #tpu.memory_space<vmem>> -> memref<128x128xf32, #tpu.memory_space<vmem>>
      %dma_start3A_153 = arith.constant 0 : i32
      %dma_start3A_154 = tpu.memref_slice %arg13[%add3A_147, %dma_start3A_153] : memref<16x128xi32, #tpu.memory_space<vmem>> -> memref<1x128xi32, #tpu.memory_space<vmem>>
      %dma_start3A_155 = tpu.memref_squeeze %dma_start3A_154 : memref<1x128xi32, #tpu.memory_space<vmem>> -> memref<128xi32, #tpu.memory_space<vmem>>
      %dma_start3A_156 = arith.constant 0 : i32
      %dma_start3A_157 = arith.constant 0 : i32
      %dma_start3A_158 = tpu.memref_slice %arg2[%dma_start3A_156, %dma_start3A_157] : memref<400000x128xf32, #tpu.memory_space<hbm>> -> memref<400000x128xf32, #tpu.memory_space<hbm>>
      tpu.enqueue_indirect_dma source(%dma_start3A_158 : memref<400000x128xf32, #tpu.memory_space<hbm>>) target(%dma_start3A_152 : memref<128x128xf32, #tpu.memory_space<vmem>>) offsets(%dma_start3A_155 : memref<128xi32, #tpu.memory_space<vmem>>) semaphore(%arg19 : memref<!tpu.dma_semaphore, #tpu.memory_space<semaphore_mem>>)
      %mul3A_159 = arith.constant 4 : i32
      %mul3A_160 = arith.muli %scan3A_126, %mul3A_159 : i32
      %add3A_161 = arith.constant 1 : i32
      %add3A_162 = arith.addi %mul3A_160, %add3A_161 : i32
      %dma_wait3A_163 = arith.constant 1 : i32
      %dma_wait3A_164 = arith.constant 0 : i32
      %dma_wait3A_165 = arith.constant 0 : i32
      %dma_wait3A_166 = tpu.memref_slice %arg16[%dma_wait3A_163, %dma_wait3A_164, %dma_wait3A_165] : memref<4x128x128xf32, #tpu.memory_space<vmem>> -> memref<1x128x128xf32, #tpu.memory_space<vmem>>
      %dma_wait3A_167 = tpu.memref_squeeze %dma_wait3A_166 : memref<1x128x128xf32, #tpu.memory_space<vmem>> -> memref<128x128xf32, #tpu.memory_space<vmem>>
      %dma_wait3A_168 = arith.constant 0 : i32
      %dma_wait3A_169 = tpu.memref_slice %arg13[%add3A_162, %dma_wait3A_168] : memref<16x128xi32, #tpu.memory_space<vmem>> -> memref<1x128xi32, #tpu.memory_space<vmem>>
      %dma_wait3A_170 = tpu.memref_squeeze %dma_wait3A_169 : memref<1x128xi32, #tpu.memory_space<vmem>> -> memref<128xi32, #tpu.memory_space<vmem>>
      %dma_wait3A_171 = arith.constant 0 : i32
      %dma_wait3A_172 = arith.constant 0 : i32
      %dma_wait3A_173 = tpu.memref_slice %arg2[%dma_wait3A_171, %dma_wait3A_172] : memref<400000x128xf32, #tpu.memory_space<hbm>> -> memref<400000x128xf32, #tpu.memory_space<hbm>>
      tpu.wait_indirect_dma semaphore(%arg20 : memref<!tpu.dma_semaphore, #tpu.memory_space<semaphore_mem>>) src(%dma_wait3A_173 : memref<400000x128xf32, #tpu.memory_space<hbm>>) dst(%dma_wait3A_167 : memref<128x128xf32, #tpu.memory_space<vmem>>)
      %mul3A_174 = arith.constant 128 : i32
      %mul3A_175 = arith.muli %add3A_162, %mul3A_174 : i32
      %add3A_176 = arith.addi %mul3A_55, %mul3A_175 : i32
      %run_scoped3A_177 = arith.constant 1 : i32
      "tpu.region"() ({
        %run_scoped3A_255 = tpu.sem_alloc : memref<!tpu.dma_semaphore, #tpu.memory_space<semaphore_mem>>
        %dma_start3A_256 = arith.constant 0 : i32
        %dma_start3A_257 = arith.constant 0 : i32
        %dma_start3A_258 = tpu.memref_slice %arg16[%run_scoped3A_177, %dma_start3A_256, %dma_start3A_257] : memref<4x128x128xf32, #tpu.memory_space<vmem>> -> memref<1x128x128xf32, #tpu.memory_space<vmem>>
        %dma_start3A_259 = tpu.memref_squeeze %dma_start3A_258 : memref<1x128x128xf32, #tpu.memory_space<vmem>> -> memref<128x128xf32, #tpu.memory_space<vmem>>
        %dma_start3A_260 = arith.constant 0 : i32
        %dma_start3A_261 = tpu.memref_slice %arg10[%add3A_176, %dma_start3A_260] : memref<65536x128xf32, #tpu.memory_space<hbm>> -> memref<128x128xf32, #tpu.memory_space<hbm>>
        %dma_start3A_262 = arith.constant 0 : i32
        %dma_start3A_263 = tpu.memref_slice %arg10[%add3A_176, %dma_start3A_262] : memref<65536x128xf32, #tpu.memory_space<hbm>> -> memref<128x128xf32, #tpu.memory_space<hbm>>
        %dma_start3A_264 = arith.constant 0 : i32
        %dma_start3A_265 = arith.constant 0 : i32
        %dma_start3A_266 = tpu.memref_slice %arg16[%run_scoped3A_177, %dma_start3A_264, %dma_start3A_265] : memref<4x128x128xf32, #tpu.memory_space<vmem>> -> memref<1x128x128xf32, #tpu.memory_space<vmem>>
        %dma_start3A_267 = tpu.memref_squeeze %dma_start3A_266 : memref<1x128x128xf32, #tpu.memory_space<vmem>> -> memref<128x128xf32, #tpu.memory_space<vmem>>
        tpu.enqueue_dma source(%dma_start3A_267 : memref<128x128xf32, #tpu.memory_space<vmem>>) target(%dma_start3A_263 : memref<128x128xf32, #tpu.memory_space<hbm>>) target_semaphore(%run_scoped3A_255 : memref<!tpu.dma_semaphore, #tpu.memory_space<semaphore_mem>>)
        %dma_wait3A_268 = arith.constant 0 : i32
        %dma_wait3A_269 = arith.constant 0 : i32
        %dma_wait3A_270 = tpu.memref_slice %arg16[%run_scoped3A_177, %dma_wait3A_268, %dma_wait3A_269] : memref<4x128x128xf32, #tpu.memory_space<vmem>> -> memref<1x128x128xf32, #tpu.memory_space<vmem>>
        %dma_wait3A_271 = tpu.memref_squeeze %dma_wait3A_270 : memref<1x128x128xf32, #tpu.memory_space<vmem>> -> memref<128x128xf32, #tpu.memory_space<vmem>>
        %dma_wait3A_272 = arith.constant 0 : i32
        %dma_wait3A_273 = tpu.memref_slice %arg10[%add3A_176, %dma_wait3A_272] : memref<65536x128xf32, #tpu.memory_space<hbm>> -> memref<128x128xf32, #tpu.memory_space<hbm>>
        %dma_wait3A_274 = arith.constant 0 : i32
        %dma_wait3A_275 = tpu.memref_slice %arg10[%add3A_176, %dma_wait3A_274] : memref<65536x128xf32, #tpu.memory_space<hbm>> -> memref<128x128xf32, #tpu.memory_space<hbm>>
        %dma_wait3A_276 = arith.constant 0 : i32
        %dma_wait3A_277 = arith.constant 0 : i32
        %dma_wait3A_278 = tpu.memref_slice %arg16[%run_scoped3A_177, %dma_wait3A_276, %dma_wait3A_277] : memref<4x128x128xf32, #tpu.memory_space<vmem>> -> memref<1x128x128xf32, #tpu.memory_space<vmem>>
        %dma_wait3A_279 = tpu.memref_squeeze %dma_wait3A_278 : memref<1x128x128xf32, #tpu.memory_space<vmem>> -> memref<128x128xf32, #tpu.memory_space<vmem>>
        tpu.wait_dma2 semaphore(%run_scoped3A_255 : memref<!tpu.dma_semaphore, #tpu.memory_space<semaphore_mem>>) src(%dma_wait3A_279 : memref<128x128xf32, #tpu.memory_space<vmem>>) dst(%dma_wait3A_275 : memref<128x128xf32, #tpu.memory_space<hbm>>)
        tpu.yield
      }) : () -> ()
      %add3A_178 = arith.constant 4 : i32
      %add3A_179 = arith.addi %add3A_162, %add3A_178 : i32
      %dma_start3A_180 = arith.constant 1 : i32
      %dma_start3A_181 = arith.constant 0 : i32
      %dma_start3A_182 = arith.constant 0 : i32
      %dma_start3A_183 = tpu.memref_slice %arg16[%dma_start3A_180, %dma_start3A_181, %dma_start3A_182] : memref<4x128x128xf32, #tpu.memory_space<vmem>> -> memref<1x128x128xf32, #tpu.memory_space<vmem>>
      %dma_start3A_184 = tpu.memref_squeeze %dma_start3A_183 : memref<1x128x128xf32, #tpu.memory_space<vmem>> -> memref<128x128xf32, #tpu.memory_space<vmem>>
      %dma_start3A_185 = arith.constant 0 : i32
      %dma_start3A_186 = tpu.memref_slice %arg13[%add3A_179, %dma_start3A_185] : memref<16x128xi32, #tpu.memory_space<vmem>> -> memref<1x128xi32, #tpu.memory_space<vmem>>
      %dma_start3A_187 = tpu.memref_squeeze %dma_start3A_186 : memref<1x128xi32, #tpu.memory_space<vmem>> -> memref<128xi32, #tpu.memory_space<vmem>>
      %dma_start3A_188 = arith.constant 0 : i32
      %dma_start3A_189 = arith.constant 0 : i32
      %dma_start3A_190 = tpu.memref_slice %arg2[%dma_start3A_188, %dma_start3A_189] : memref<400000x128xf32, #tpu.memory_space<hbm>> -> memref<400000x128xf32, #tpu.memory_space<hbm>>
      tpu.enqueue_indirect_dma source(%dma_start3A_190 : memref<400000x128xf32, #tpu.memory_space<hbm>>) target(%dma_start3A_184 : memref<128x128xf32, #tpu.memory_space<vmem>>) offsets(%dma_start3A_187 : memref<128xi32, #tpu.memory_space<vmem>>) semaphore(%arg20 : memref<!tpu.dma_semaphore, #tpu.memory_space<semaphore_mem>>)
      %mul3A_191 = arith.constant 4 : i32
      %mul3A_192 = arith.muli %scan3A_126, %mul3A_191 : i32
      %add3A_193 = arith.constant 2 : i32
      %add3A_194 = arith.addi %mul3A_192, %add3A_193 : i32
      %dma_wait3A_195 = arith.constant 2 : i32
      %dma_wait3A_196 = arith.constant 0 : i32
      %dma_wait3A_197 = arith.constant 0 : i32
      %dma_wait3A_198 = tpu.memref_slice %arg16[%dma_wait3A_195, %dma_wait3A_196, %dma_wait3A_197] : memref<4x128x128xf32, #tpu.memory_space<vmem>> -> memref<1x128x128xf32, #tpu.memory_space<vmem>>
      %dma_wait3A_199 = tpu.memref_squeeze %dma_wait3A_198 : memref<1x128x128xf32, #tpu.memory_space<vmem>> -> memref<128x128xf32, #tpu.memory_space<vmem>>
      %dma_wait3A_200 = arith.constant 0 : i32
      %dma_wait3A_201 = tpu.memref_slice %arg13[%add3A_194, %dma_wait3A_200] : memref<16x128xi32, #tpu.memory_space<vmem>> -> memref<1x128xi32, #tpu.memory_space<vmem>>
      %dma_wait3A_202 = tpu.memref_squeeze %dma_wait3A_201 : memref<1x128xi32, #tpu.memory_space<vmem>> -> memref<128xi32, #tpu.memory_space<vmem>>
      %dma_wait3A_203 = arith.constant 0 : i32
      %dma_wait3A_204 = arith.constant 0 : i32
      %dma_wait3A_205 = tpu.memref_slice %arg2[%dma_wait3A_203, %dma_wait3A_204] : memref<400000x128xf32, #tpu.memory_space<hbm>> -> memref<400000x128xf32, #tpu.memory_space<hbm>>
      tpu.wait_indirect_dma semaphore(%arg21 : memref<!tpu.dma_semaphore, #tpu.memory_space<semaphore_mem>>) src(%dma_wait3A_205 : memref<400000x128xf32, #tpu.memory_space<hbm>>) dst(%dma_wait3A_199 : memref<128x128xf32, #tpu.memory_space<vmem>>)
      %mul3A_206 = arith.constant 128 : i32
      %mul3A_207 = arith.muli %add3A_194, %mul3A_206 : i32
      %add3A_208 = arith.addi %mul3A_55, %mul3A_207 : i32
      %run_scoped3A_209 = arith.constant 2 : i32
      "tpu.region"() ({
        %run_scoped3A_255 = tpu.sem_alloc : memref<!tpu.dma_semaphore, #tpu.memory_space<semaphore_mem>>
        %dma_start3A_256 = arith.constant 0 : i32
        %dma_start3A_257 = arith.constant 0 : i32
        %dma_start3A_258 = tpu.memref_slice %arg16[%run_scoped3A_209, %dma_start3A_256, %dma_start3A_257] : memref<4x128x128xf32, #tpu.memory_space<vmem>> -> memref<1x128x128xf32, #tpu.memory_space<vmem>>
        %dma_start3A_259 = tpu.memref_squeeze %dma_start3A_258 : memref<1x128x128xf32, #tpu.memory_space<vmem>> -> memref<128x128xf32, #tpu.memory_space<vmem>>
        %dma_start3A_260 = arith.constant 0 : i32
        %dma_start3A_261 = tpu.memref_slice %arg10[%add3A_208, %dma_start3A_260] : memref<65536x128xf32, #tpu.memory_space<hbm>> -> memref<128x128xf32, #tpu.memory_space<hbm>>
        %dma_start3A_262 = arith.constant 0 : i32
        %dma_start3A_263 = tpu.memref_slice %arg10[%add3A_208, %dma_start3A_262] : memref<65536x128xf32, #tpu.memory_space<hbm>> -> memref<128x128xf32, #tpu.memory_space<hbm>>
        %dma_start3A_264 = arith.constant 0 : i32
        %dma_start3A_265 = arith.constant 0 : i32
        %dma_start3A_266 = tpu.memref_slice %arg16[%run_scoped3A_209, %dma_start3A_264, %dma_start3A_265] : memref<4x128x128xf32, #tpu.memory_space<vmem>> -> memref<1x128x128xf32, #tpu.memory_space<vmem>>
        %dma_start3A_267 = tpu.memref_squeeze %dma_start3A_266 : memref<1x128x128xf32, #tpu.memory_space<vmem>> -> memref<128x128xf32, #tpu.memory_space<vmem>>
        tpu.enqueue_dma source(%dma_start3A_267 : memref<128x128xf32, #tpu.memory_space<vmem>>) target(%dma_start3A_263 : memref<128x128xf32, #tpu.memory_space<hbm>>) target_semaphore(%run_scoped3A_255 : memref<!tpu.dma_semaphore, #tpu.memory_space<semaphore_mem>>)
        %dma_wait3A_268 = arith.constant 0 : i32
        %dma_wait3A_269 = arith.constant 0 : i32
        %dma_wait3A_270 = tpu.memref_slice %arg16[%run_scoped3A_209, %dma_wait3A_268, %dma_wait3A_269] : memref<4x128x128xf32, #tpu.memory_space<vmem>> -> memref<1x128x128xf32, #tpu.memory_space<vmem>>
        %dma_wait3A_271 = tpu.memref_squeeze %dma_wait3A_270 : memref<1x128x128xf32, #tpu.memory_space<vmem>> -> memref<128x128xf32, #tpu.memory_space<vmem>>
        %dma_wait3A_272 = arith.constant 0 : i32
        %dma_wait3A_273 = tpu.memref_slice %arg10[%add3A_208, %dma_wait3A_272] : memref<65536x128xf32, #tpu.memory_space<hbm>> -> memref<128x128xf32, #tpu.memory_space<hbm>>
        %dma_wait3A_274 = arith.constant 0 : i32
        %dma_wait3A_275 = tpu.memref_slice %arg10[%add3A_208, %dma_wait3A_274] : memref<65536x128xf32, #tpu.memory_space<hbm>> -> memref<128x128xf32, #tpu.memory_space<hbm>>
        %dma_wait3A_276 = arith.constant 0 : i32
        %dma_wait3A_277 = arith.constant 0 : i32
        %dma_wait3A_278 = tpu.memref_slice %arg16[%run_scoped3A_209, %dma_wait3A_276, %dma_wait3A_277] : memref<4x128x128xf32, #tpu.memory_space<vmem>> -> memref<1x128x128xf32, #tpu.memory_space<vmem>>
        %dma_wait3A_279 = tpu.memref_squeeze %dma_wait3A_278 : memref<1x128x128xf32, #tpu.memory_space<vmem>> -> memref<128x128xf32, #tpu.memory_space<vmem>>
        tpu.wait_dma2 semaphore(%run_scoped3A_255 : memref<!tpu.dma_semaphore, #tpu.memory_space<semaphore_mem>>) src(%dma_wait3A_279 : memref<128x128xf32, #tpu.memory_space<vmem>>) dst(%dma_wait3A_275 : memref<128x128xf32, #tpu.memory_space<hbm>>)
        tpu.yield
      }) : () -> ()
      %add3A_210 = arith.constant 4 : i32
      %add3A_211 = arith.addi %add3A_194, %add3A_210 : i32
      %dma_start3A_212 = arith.constant 2 : i32
      %dma_start3A_213 = arith.constant 0 : i32
      %dma_start3A_214 = arith.constant 0 : i32
      %dma_start3A_215 = tpu.memref_slice %arg16[%dma_start3A_212, %dma_start3A_213, %dma_start3A_214] : memref<4x128x128xf32, #tpu.memory_space<vmem>> -> memref<1x128x128xf32, #tpu.memory_space<vmem>>
      %dma_start3A_216 = tpu.memref_squeeze %dma_start3A_215 : memref<1x128x128xf32, #tpu.memory_space<vmem>> -> memref<128x128xf32, #tpu.memory_space<vmem>>
      %dma_start3A_217 = arith.constant 0 : i32
      %dma_start3A_218 = tpu.memref_slice %arg13[%add3A_211, %dma_start3A_217] : memref<16x128xi32, #tpu.memory_space<vmem>> -> memref<1x128xi32, #tpu.memory_space<vmem>>
      %dma_start3A_219 = tpu.memref_squeeze %dma_start3A_218 : memref<1x128xi32, #tpu.memory_space<vmem>> -> memref<128xi32, #tpu.memory_space<vmem>>
      %dma_start3A_220 = arith.constant 0 : i32
      %dma_start3A_221 = arith.constant 0 : i32
      %dma_start3A_222 = tpu.memref_slice %arg2[%dma_start3A_220, %dma_start3A_221] : memref<400000x128xf32, #tpu.memory_space<hbm>> -> memref<400000x128xf32, #tpu.memory_space<hbm>>
      tpu.enqueue_indirect_dma source(%dma_start3A_222 : memref<400000x128xf32, #tpu.memory_space<hbm>>) target(%dma_start3A_216 : memref<128x128xf32, #tpu.memory_space<vmem>>) offsets(%dma_start3A_219 : memref<128xi32, #tpu.memory_space<vmem>>) semaphore(%arg21 : memref<!tpu.dma_semaphore, #tpu.memory_space<semaphore_mem>>)
      %mul3A_223 = arith.constant 4 : i32
      %mul3A_224 = arith.muli %scan3A_126, %mul3A_223 : i32
      %add3A_225 = arith.constant 3 : i32
      %add3A_226 = arith.addi %mul3A_224, %add3A_225 : i32
      %dma_wait3A_227 = arith.constant 3 : i32
      %dma_wait3A_228 = arith.constant 0 : i32
      %dma_wait3A_229 = arith.constant 0 : i32
      %dma_wait3A_230 = tpu.memref_slice %arg16[%dma_wait3A_227, %dma_wait3A_228, %dma_wait3A_229] : memref<4x128x128xf32, #tpu.memory_space<vmem>> -> memref<1x128x128xf32, #tpu.memory_space<vmem>>
      %dma_wait3A_231 = tpu.memref_squeeze %dma_wait3A_230 : memref<1x128x128xf32, #tpu.memory_space<vmem>> -> memref<128x128xf32, #tpu.memory_space<vmem>>
      %dma_wait3A_232 = arith.constant 0 : i32
      %dma_wait3A_233 = tpu.memref_slice %arg13[%add3A_226, %dma_wait3A_232] : memref<16x128xi32, #tpu.memory_space<vmem>> -> memref<1x128xi32, #tpu.memory_space<vmem>>
      %dma_wait3A_234 = tpu.memref_squeeze %dma_wait3A_233 : memref<1x128xi32, #tpu.memory_space<vmem>> -> memref<128xi32, #tpu.memory_space<vmem>>
      %dma_wait3A_235 = arith.constant 0 : i32
      %dma_wait3A_236 = arith.constant 0 : i32
      %dma_wait3A_237 = tpu.memref_slice %arg2[%dma_wait3A_235, %dma_wait3A_236] : memref<400000x128xf32, #tpu.memory_space<hbm>> -> memref<400000x128xf32, #tpu.memory_space<hbm>>
      tpu.wait_indirect_dma semaphore(%arg22 : memref<!tpu.dma_semaphore, #tpu.memory_space<semaphore_mem>>) src(%dma_wait3A_237 : memref<400000x128xf32, #tpu.memory_space<hbm>>) dst(%dma_wait3A_231 : memref<128x128xf32, #tpu.memory_space<vmem>>)
      %mul3A_238 = arith.constant 128 : i32
      %mul3A_239 = arith.muli %add3A_226, %mul3A_238 : i32
      %add3A_240 = arith.addi %mul3A_55, %mul3A_239 : i32
      %run_scoped3A_241 = arith.constant 3 : i32
      "tpu.region"() ({
        %run_scoped3A_255 = tpu.sem_alloc : memref<!tpu.dma_semaphore, #tpu.memory_space<semaphore_mem>>
        %dma_start3A_256 = arith.constant 0 : i32
        %dma_start3A_257 = arith.constant 0 : i32
        %dma_start3A_258 = tpu.memref_slice %arg16[%run_scoped3A_241, %dma_start3A_256, %dma_start3A_257] : memref<4x128x128xf32, #tpu.memory_space<vmem>> -> memref<1x128x128xf32, #tpu.memory_space<vmem>>
        %dma_start3A_259 = tpu.memref_squeeze %dma_start3A_258 : memref<1x128x128xf32, #tpu.memory_space<vmem>> -> memref<128x128xf32, #tpu.memory_space<vmem>>
        %dma_start3A_260 = arith.constant 0 : i32
        %dma_start3A_261 = tpu.memref_slice %arg10[%add3A_240, %dma_start3A_260] : memref<65536x128xf32, #tpu.memory_space<hbm>> -> memref<128x128xf32, #tpu.memory_space<hbm>>
        %dma_start3A_262 = arith.constant 0 : i32
        %dma_start3A_263 = tpu.memref_slice %arg10[%add3A_240, %dma_start3A_262] : memref<65536x128xf32, #tpu.memory_space<hbm>> -> memref<128x128xf32, #tpu.memory_space<hbm>>
        %dma_start3A_264 = arith.constant 0 : i32
        %dma_start3A_265 = arith.constant 0 : i32
        %dma_start3A_266 = tpu.memref_slice %arg16[%run_scoped3A_241, %dma_start3A_264, %dma_start3A_265] : memref<4x128x128xf32, #tpu.memory_space<vmem>> -> memref<1x128x128xf32, #tpu.memory_space<vmem>>
        %dma_start3A_267 = tpu.memref_squeeze %dma_start3A_266 : memref<1x128x128xf32, #tpu.memory_space<vmem>> -> memref<128x128xf32, #tpu.memory_space<vmem>>
        tpu.enqueue_dma source(%dma_start3A_267 : memref<128x128xf32, #tpu.memory_space<vmem>>) target(%dma_start3A_263 : memref<128x128xf32, #tpu.memory_space<hbm>>) target_semaphore(%run_scoped3A_255 : memref<!tpu.dma_semaphore, #tpu.memory_space<semaphore_mem>>)
        %dma_wait3A_268 = arith.constant 0 : i32
        %dma_wait3A_269 = arith.constant 0 : i32
        %dma_wait3A_270 = tpu.memref_slice %arg16[%run_scoped3A_241, %dma_wait3A_268, %dma_wait3A_269] : memref<4x128x128xf32, #tpu.memory_space<vmem>> -> memref<1x128x128xf32, #tpu.memory_space<vmem>>
        %dma_wait3A_271 = tpu.memref_squeeze %dma_wait3A_270 : memref<1x128x128xf32, #tpu.memory_space<vmem>> -> memref<128x128xf32, #tpu.memory_space<vmem>>
        %dma_wait3A_272 = arith.constant 0 : i32
        %dma_wait3A_273 = tpu.memref_slice %arg10[%add3A_240, %dma_wait3A_272] : memref<65536x128xf32, #tpu.memory_space<hbm>> -> memref<128x128xf32, #tpu.memory_space<hbm>>
        %dma_wait3A_274 = arith.constant 0 : i32
        %dma_wait3A_275 = tpu.memref_slice %arg10[%add3A_240, %dma_wait3A_274] : memref<65536x128xf32, #tpu.memory_space<hbm>> -> memref<128x128xf32, #tpu.memory_space<hbm>>
        %dma_wait3A_276 = arith.constant 0 : i32
        %dma_wait3A_277 = arith.constant 0 : i32
        %dma_wait3A_278 = tpu.memref_slice %arg16[%run_scoped3A_241, %dma_wait3A_276, %dma_wait3A_277] : memref<4x128x128xf32, #tpu.memory_space<vmem>> -> memref<1x128x128xf32, #tpu.memory_space<vmem>>
        %dma_wait3A_279 = tpu.memref_squeeze %dma_wait3A_278 : memref<1x128x128xf32, #tpu.memory_space<vmem>> -> memref<128x128xf32, #tpu.memory_space<vmem>>
        tpu.wait_dma2 semaphore(%run_scoped3A_255 : memref<!tpu.dma_semaphore, #tpu.memory_space<semaphore_mem>>) src(%dma_wait3A_279 : memref<128x128xf32, #tpu.memory_space<vmem>>) dst(%dma_wait3A_275 : memref<128x128xf32, #tpu.memory_space<hbm>>)
        tpu.yield
      }) : () -> ()
      %add3A_242 = arith.constant 4 : i32
      %add3A_243 = arith.addi %add3A_226, %add3A_242 : i32
      %dma_start3A_244 = arith.constant 3 : i32
      %dma_start3A_245 = arith.constant 0 : i32
      %dma_start3A_246 = arith.constant 0 : i32
      %dma_start3A_247 = tpu.memref_slice %arg16[%dma_start3A_244, %dma_start3A_245, %dma_start3A_246] : memref<4x128x128xf32, #tpu.memory_space<vmem>> -> memref<1x128x128xf32, #tpu.memory_space<vmem>>
      %dma_start3A_248 = tpu.memref_squeeze %dma_start3A_247 : memref<1x128x128xf32, #tpu.memory_space<vmem>> -> memref<128x128xf32, #tpu.memory_space<vmem>>
      %dma_start3A_249 = arith.constant 0 : i32
      %dma_start3A_250 = tpu.memref_slice %arg13[%add3A_243, %dma_start3A_249] : memref<16x128xi32, #tpu.memory_space<vmem>> -> memref<1x128xi32, #tpu.memory_space<vmem>>
      %dma_start3A_251 = tpu.memref_squeeze %dma_start3A_250 : memref<1x128xi32, #tpu.memory_space<vmem>> -> memref<128xi32, #tpu.memory_space<vmem>>
      %dma_start3A_252 = arith.constant 0 : i32
      %dma_start3A_253 = arith.constant 0 : i32
      %dma_start3A_254 = tpu.memref_slice %arg2[%dma_start3A_252, %dma_start3A_253] : memref<400000x128xf32, #tpu.memory_space<hbm>> -> memref<400000x128xf32, #tpu.memory_space<hbm>>
      tpu.enqueue_indirect_dma source(%dma_start3A_254 : memref<400000x128xf32, #tpu.memory_space<hbm>>) target(%dma_start3A_248 : memref<128x128xf32, #tpu.memory_space<vmem>>) offsets(%dma_start3A_251 : memref<128xi32, #tpu.memory_space<vmem>>) semaphore(%arg22 : memref<!tpu.dma_semaphore, #tpu.memory_space<semaphore_mem>>)
    }
    %scan3A_59 = arith.constant 3 : i32
    %dma_wait3A = arith.constant 12 : i32
    %dma_wait3A_60 = arith.constant 0 : i32
    %dma_wait3A_61 = arith.constant 0 : i32
    %dma_wait3A_62 = arith.constant 0 : i32
    %dma_wait3A_63 = tpu.memref_slice %arg16[%dma_wait3A_60, %dma_wait3A_61, %dma_wait3A_62] : memref<4x128x128xf32, #tpu.memory_space<vmem>> -> memref<1x128x128xf32, #tpu.memory_space<vmem>>
    %dma_wait3A_64 = tpu.memref_squeeze %dma_wait3A_63 : memref<1x128x128xf32, #tpu.memory_space<vmem>> -> memref<128x128xf32, #tpu.memory_space<vmem>>
    %dma_wait3A_65 = arith.constant 0 : i32
    %dma_wait3A_66 = tpu.memref_slice %arg13[%dma_wait3A, %dma_wait3A_65] : memref<16x128xi32, #tpu.memory_space<vmem>> -> memref<1x128xi32, #tpu.memory_space<vmem>>
    %dma_wait3A_67 = tpu.memref_squeeze %dma_wait3A_66 : memref<1x128xi32, #tpu.memory_space<vmem>> -> memref<128xi32, #tpu.memory_space<vmem>>
    %dma_wait3A_68 = arith.constant 0 : i32
    %dma_wait3A_69 = arith.constant 0 : i32
    %dma_wait3A_70 = tpu.memref_slice %arg2[%dma_wait3A_68, %dma_wait3A_69] : memref<400000x128xf32, #tpu.memory_space<hbm>> -> memref<400000x128xf32, #tpu.memory_space<hbm>>
    tpu.wait_indirect_dma semaphore(%arg19 : memref<!tpu.dma_semaphore, #tpu.memory_space<semaphore_mem>>) src(%dma_wait3A_70 : memref<400000x128xf32, #tpu.memory_space<hbm>>) dst(%dma_wait3A_64 : memref<128x128xf32, #tpu.memory_space<vmem>>)
    %add3A_71 = arith.constant 1536 : i32
    %add3A_72 = arith.addi %mul3A_55, %add3A_71 : i32
    %run_scoped3A = arith.constant 0 : i32
    "tpu.region"() ({
      %run_scoped3A_126 = tpu.sem_alloc : memref<!tpu.dma_semaphore, #tpu.memory_space<semaphore_mem>>
      %dma_start3A_127 = arith.constant 0 : i32
      %dma_start3A_128 = arith.constant 0 : i32
      %dma_start3A_129 = tpu.memref_slice %arg16[%run_scoped3A, %dma_start3A_127, %dma_start3A_128] : memref<4x128x128xf32, #tpu.memory_space<vmem>> -> memref<1x128x128xf32, #tpu.memory_space<vmem>>
      %dma_start3A_130 = tpu.memref_squeeze %dma_start3A_129 : memref<1x128x128xf32, #tpu.memory_space<vmem>> -> memref<128x128xf32, #tpu.memory_space<vmem>>
      %dma_start3A_131 = arith.constant 0 : i32
      %dma_start3A_132 = tpu.memref_slice %arg10[%add3A_72, %dma_start3A_131] : memref<65536x128xf32, #tpu.memory_space<hbm>> -> memref<128x128xf32, #tpu.memory_space<hbm>>
      %dma_start3A_133 = arith.constant 0 : i32
      %dma_start3A_134 = tpu.memref_slice %arg10[%add3A_72, %dma_start3A_133] : memref<65536x128xf32, #tpu.memory_space<hbm>> -> memref<128x128xf32, #tpu.memory_space<hbm>>
      %dma_start3A_135 = arith.constant 0 : i32
      %dma_start3A_136 = arith.constant 0 : i32
      %dma_start3A_137 = tpu.memref_slice %arg16[%run_scoped3A, %dma_start3A_135, %dma_start3A_136] : memref<4x128x128xf32, #tpu.memory_space<vmem>> -> memref<1x128x128xf32, #tpu.memory_space<vmem>>
      %dma_start3A_138 = tpu.memref_squeeze %dma_start3A_137 : memref<1x128x128xf32, #tpu.memory_space<vmem>> -> memref<128x128xf32, #tpu.memory_space<vmem>>
      tpu.enqueue_dma source(%dma_start3A_138 : memref<128x128xf32, #tpu.memory_space<vmem>>) target(%dma_start3A_134 : memref<128x128xf32, #tpu.memory_space<hbm>>) target_semaphore(%run_scoped3A_126 : memref<!tpu.dma_semaphore, #tpu.memory_space<semaphore_mem>>)
      %dma_wait3A_139 = arith.constant 0 : i32
      %dma_wait3A_140 = arith.constant 0 : i32
      %dma_wait3A_141 = tpu.memref_slice %arg16[%run_scoped3A, %dma_wait3A_139, %dma_wait3A_140] : memref<4x128x128xf32, #tpu.memory_space<vmem>> -> memref<1x128x128xf32, #tpu.memory_space<vmem>>
      %dma_wait3A_142 = tpu.memref_squeeze %dma_wait3A_141 : memref<1x128x128xf32, #tpu.memory_space<vmem>> -> memref<128x128xf32, #tpu.memory_space<vmem>>
      %dma_wait3A_143 = arith.constant 0 : i32
      %dma_wait3A_144 = tpu.memref_slice %arg10[%add3A_72, %dma_wait3A_143] : memref<65536x128xf32, #tpu.memory_space<hbm>> -> memref<128x128xf32, #tpu.memory_space<hbm>>
      %dma_wait3A_145 = arith.constant 0 : i32
      %dma_wait3A_146 = tpu.memref_slice %arg10[%add3A_72, %dma_wait3A_145] : memref<65536x128xf32, #tpu.memory_space<hbm>> -> memref<128x128xf32, #tpu.memory_space<hbm>>
      %dma_wait3A_147 = arith.constant 0 : i32
      %dma_wait3A_148 = arith.constant 0 : i32
      %dma_wait3A_149 = tpu.memref_slice %arg16[%run_scoped3A, %dma_wait3A_147, %dma_wait3A_148] : memref<4x128x128xf32, #tpu.memory_space<vmem>> -> memref<1x128x128xf32, #tpu.memory_space<vmem>>
      %dma_wait3A_150 = tpu.memref_squeeze %dma_wait3A_149 : memref<1x128x128xf32, #tpu.memory_space<vmem>> -> memref<128x128xf32, #tpu.memory_space<vmem>>
      tpu.wait_dma2 semaphore(%run_scoped3A_126 : memref<!tpu.dma_semaphore, #tpu.memory_space<semaphore_mem>>) src(%dma_wait3A_150 : memref<128x128xf32, #tpu.memory_space<vmem>>) dst(%dma_wait3A_146 : memref<128x128xf32, #tpu.memory_space<hbm>>)
      tpu.yield
    }) : () -> ()
    %dma_wait3A_73 = arith.constant 13 : i32
    %dma_wait3A_74 = arith.constant 1 : i32
    %dma_wait3A_75 = arith.constant 0 : i32
    %dma_wait3A_76 = arith.constant 0 : i32
    %dma_wait3A_77 = tpu.memref_slice %arg16[%dma_wait3A_74, %dma_wait3A_75, %dma_wait3A_76] : memref<4x128x128xf32, #tpu.memory_space<vmem>> -> memref<1x128x128xf32, #tpu.memory_space<vmem>>
    %dma_wait3A_78 = tpu.memref_squeeze %dma_wait3A_77 : memref<1x128x128xf32, #tpu.memory_space<vmem>> -> memref<128x128xf32, #tpu.memory_space<vmem>>
    %dma_wait3A_79 = arith.constant 0 : i32
    %dma_wait3A_80 = tpu.memref_slice %arg13[%dma_wait3A_73, %dma_wait3A_79] : memref<16x128xi32, #tpu.memory_space<vmem>> -> memref<1x128xi32, #tpu.memory_space<vmem>>
    %dma_wait3A_81 = tpu.memref_squeeze %dma_wait3A_80 : memref<1x128xi32, #tpu.memory_space<vmem>> -> memref<128xi32, #tpu.memory_space<vmem>>
    %dma_wait3A_82 = arith.constant 0 : i32
    %dma_wait3A_83 = arith.constant 0 : i32
    %dma_wait3A_84 = tpu.memref_slice %arg2[%dma_wait3A_82, %dma_wait3A_83] : memref<400000x128xf32, #tpu.memory_space<hbm>> -> memref<400000x128xf32, #tpu.memory_space<hbm>>
    tpu.wait_indirect_dma semaphore(%arg20 : memref<!tpu.dma_semaphore, #tpu.memory_space<semaphore_mem>>) src(%dma_wait3A_84 : memref<400000x128xf32, #tpu.memory_space<hbm>>) dst(%dma_wait3A_78 : memref<128x128xf32, #tpu.memory_space<vmem>>)
    %add3A_85 = arith.constant 1664 : i32
    %add3A_86 = arith.addi %mul3A_55, %add3A_85 : i32
    %run_scoped3A_87 = arith.constant 1 : i32
    "tpu.region"() ({
      %run_scoped3A_126 = tpu.sem_alloc : memref<!tpu.dma_semaphore, #tpu.memory_space<semaphore_mem>>
      %dma_start3A_127 = arith.constant 0 : i32
      %dma_start3A_128 = arith.constant 0 : i32
      %dma_start3A_129 = tpu.memref_slice %arg16[%run_scoped3A_87, %dma_start3A_127, %dma_start3A_128] : memref<4x128x128xf32, #tpu.memory_space<vmem>> -> memref<1x128x128xf32, #tpu.memory_space<vmem>>
      %dma_start3A_130 = tpu.memref_squeeze %dma_start3A_129 : memref<1x128x128xf32, #tpu.memory_space<vmem>> -> memref<128x128xf32, #tpu.memory_space<vmem>>
      %dma_start3A_131 = arith.constant 0 : i32
      %dma_start3A_132 = tpu.memref_slice %arg10[%add3A_86, %dma_start3A_131] : memref<65536x128xf32, #tpu.memory_space<hbm>> -> memref<128x128xf32, #tpu.memory_space<hbm>>
      %dma_start3A_133 = arith.constant 0 : i32
      %dma_start3A_134 = tpu.memref_slice %arg10[%add3A_86, %dma_start3A_133] : memref<65536x128xf32, #tpu.memory_space<hbm>> -> memref<128x128xf32, #tpu.memory_space<hbm>>
      %dma_start3A_135 = arith.constant 0 : i32
      %dma_start3A_136 = arith.constant 0 : i32
      %dma_start3A_137 = tpu.memref_slice %arg16[%run_scoped3A_87, %dma_start3A_135, %dma_start3A_136] : memref<4x128x128xf32, #tpu.memory_space<vmem>> -> memref<1x128x128xf32, #tpu.memory_space<vmem>>
      %dma_start3A_138 = tpu.memref_squeeze %dma_start3A_137 : memref<1x128x128xf32, #tpu.memory_space<vmem>> -> memref<128x128xf32, #tpu.memory_space<vmem>>
      tpu.enqueue_dma source(%dma_start3A_138 : memref<128x128xf32, #tpu.memory_space<vmem>>) target(%dma_start3A_134 : memref<128x128xf32, #tpu.memory_space<hbm>>) target_semaphore(%run_scoped3A_126 : memref<!tpu.dma_semaphore, #tpu.memory_space<semaphore_mem>>)
      %dma_wait3A_139 = arith.constant 0 : i32
      %dma_wait3A_140 = arith.constant 0 : i32
      %dma_wait3A_141 = tpu.memref_slice %arg16[%run_scoped3A_87, %dma_wait3A_139, %dma_wait3A_140] : memref<4x128x128xf32, #tpu.memory_space<vmem>> -> memref<1x128x128xf32, #tpu.memory_space<vmem>>
      %dma_wait3A_142 = tpu.memref_squeeze %dma_wait3A_141 : memref<1x128x128xf32, #tpu.memory_space<vmem>> -> memref<128x128xf32, #tpu.memory_space<vmem>>
      %dma_wait3A_143 = arith.constant 0 : i32
      %dma_wait3A_144 = tpu.memref_slice %arg10[%add3A_86, %dma_wait3A_143] : memref<65536x128xf32, #tpu.memory_space<hbm>> -> memref<128x128xf32, #tpu.memory_space<hbm>>
      %dma_wait3A_145 = arith.constant 0 : i32
      %dma_wait3A_146 = tpu.memref_slice %arg10[%add3A_86, %dma_wait3A_145] : memref<65536x128xf32, #tpu.memory_space<hbm>> -> memref<128x128xf32, #tpu.memory_space<hbm>>
      %dma_wait3A_147 = arith.constant 0 : i32
      %dma_wait3A_148 = arith.constant 0 : i32
      %dma_wait3A_149 = tpu.memref_slice %arg16[%run_scoped3A_87, %dma_wait3A_147, %dma_wait3A_148] : memref<4x128x128xf32, #tpu.memory_space<vmem>> -> memref<1x128x128xf32, #tpu.memory_space<vmem>>
      %dma_wait3A_150 = tpu.memref_squeeze %dma_wait3A_149 : memref<1x128x128xf32, #tpu.memory_space<vmem>> -> memref<128x128xf32, #tpu.memory_space<vmem>>
      tpu.wait_dma2 semaphore(%run_scoped3A_126 : memref<!tpu.dma_semaphore, #tpu.memory_space<semaphore_mem>>) src(%dma_wait3A_150 : memref<128x128xf32, #tpu.memory_space<vmem>>) dst(%dma_wait3A_146 : memref<128x128xf32, #tpu.memory_space<hbm>>)
      tpu.yield
    }) : () -> ()
    %dma_wait3A_88 = arith.constant 14 : i32
    %dma_wait3A_89 = arith.constant 2 : i32
    %dma_wait3A_90 = arith.constant 0 : i32
    %dma_wait3A_91 = arith.constant 0 : i32
    %dma_wait3A_92 = tpu.memref_slice %arg16[%dma_wait3A_89, %dma_wait3A_90, %dma_wait3A_91] : memref<4x128x128xf32, #tpu.memory_space<vmem>> -> memref<1x128x128xf32, #tpu.memory_space<vmem>>
    %dma_wait3A_93 = tpu.memref_squeeze %dma_wait3A_92 : memref<1x128x128xf32, #tpu.memory_space<vmem>> -> memref<128x128xf32, #tpu.memory_space<vmem>>
    %dma_wait3A_94 = arith.constant 0 : i32
    %dma_wait3A_95 = tpu.memref_slice %arg13[%dma_wait3A_88, %dma_wait3A_94] : memref<16x128xi32, #tpu.memory_space<vmem>> -> memref<1x128xi32, #tpu.memory_space<vmem>>
    %dma_wait3A_96 = tpu.memref_squeeze %dma_wait3A_95 : memref<1x128xi32, #tpu.memory_space<vmem>> -> memref<128xi32, #tpu.memory_space<vmem>>
    %dma_wait3A_97 = arith.constant 0 : i32
    %dma_wait3A_98 = arith.constant 0 : i32
    %dma_wait3A_99 = tpu.memref_slice %arg2[%dma_wait3A_97, %dma_wait3A_98] : memref<400000x128xf32, #tpu.memory_space<hbm>> -> memref<400000x128xf32, #tpu.memory_space<hbm>>
    tpu.wait_indirect_dma semaphore(%arg21 : memref<!tpu.dma_semaphore, #tpu.memory_space<semaphore_mem>>) src(%dma_wait3A_99 : memref<400000x128xf32, #tpu.memory_space<hbm>>) dst(%dma_wait3A_93 : memref<128x128xf32, #tpu.memory_space<vmem>>)
    %add3A_100 = arith.constant 1792 : i32
    %add3A_101 = arith.addi %mul3A_55, %add3A_100 : i32
    %run_scoped3A_102 = arith.constant 2 : i32
    "tpu.region"() ({
      %run_scoped3A_126 = tpu.sem_alloc : memref<!tpu.dma_semaphore, #tpu.memory_space<semaphore_mem>>
      %dma_start3A_127 = arith.constant 0 : i32
      %dma_start3A_128 = arith.constant 0 : i32
      %dma_start3A_129 = tpu.memref_slice %arg16[%run_scoped3A_102, %dma_start3A_127, %dma_start3A_128] : memref<4x128x128xf32, #tpu.memory_space<vmem>> -> memref<1x128x128xf32, #tpu.memory_space<vmem>>
      %dma_start3A_130 = tpu.memref_squeeze %dma_start3A_129 : memref<1x128x128xf32, #tpu.memory_space<vmem>> -> memref<128x128xf32, #tpu.memory_space<vmem>>
      %dma_start3A_131 = arith.constant 0 : i32
      %dma_start3A_132 = tpu.memref_slice %arg10[%add3A_101, %dma_start3A_131] : memref<65536x128xf32, #tpu.memory_space<hbm>> -> memref<128x128xf32, #tpu.memory_space<hbm>>
      %dma_start3A_133 = arith.constant 0 : i32
      %dma_start3A_134 = tpu.memref_slice %arg10[%add3A_101, %dma_start3A_133] : memref<65536x128xf32, #tpu.memory_space<hbm>> -> memref<128x128xf32, #tpu.memory_space<hbm>>
      %dma_start3A_135 = arith.constant 0 : i32
      %dma_start3A_136 = arith.constant 0 : i32
      %dma_start3A_137 = tpu.memref_slice %arg16[%run_scoped3A_102, %dma_start3A_135, %dma_start3A_136] : memref<4x128x128xf32, #tpu.memory_space<vmem>> -> memref<1x128x128xf32, #tpu.memory_space<vmem>>
      %dma_start3A_138 = tpu.memref_squeeze %dma_start3A_137 : memref<1x128x128xf32, #tpu.memory_space<vmem>> -> memref<128x128xf32, #tpu.memory_space<vmem>>
      tpu.enqueue_dma source(%dma_start3A_138 : memref<128x128xf32, #tpu.memory_space<vmem>>) target(%dma_start3A_134 : memref<128x128xf32, #tpu.memory_space<hbm>>) target_semaphore(%run_scoped3A_126 : memref<!tpu.dma_semaphore, #tpu.memory_space<semaphore_mem>>)
      %dma_wait3A_139 = arith.constant 0 : i32
      %dma_wait3A_140 = arith.constant 0 : i32
      %dma_wait3A_141 = tpu.memref_slice %arg16[%run_scoped3A_102, %dma_wait3A_139, %dma_wait3A_140] : memref<4x128x128xf32, #tpu.memory_space<vmem>> -> memref<1x128x128xf32, #tpu.memory_space<vmem>>
      %dma_wait3A_142 = tpu.memref_squeeze %dma_wait3A_141 : memref<1x128x128xf32, #tpu.memory_space<vmem>> -> memref<128x128xf32, #tpu.memory_space<vmem>>
      %dma_wait3A_143 = arith.constant 0 : i32
      %dma_wait3A_144 = tpu.memref_slice %arg10[%add3A_101, %dma_wait3A_143] : memref<65536x128xf32, #tpu.memory_space<hbm>> -> memref<128x128xf32, #tpu.memory_space<hbm>>
      %dma_wait3A_145 = arith.constant 0 : i32
      %dma_wait3A_146 = tpu.memref_slice %arg10[%add3A_101, %dma_wait3A_145] : memref<65536x128xf32, #tpu.memory_space<hbm>> -> memref<128x128xf32, #tpu.memory_space<hbm>>
      %dma_wait3A_147 = arith.constant 0 : i32
      %dma_wait3A_148 = arith.constant 0 : i32
      %dma_wait3A_149 = tpu.memref_slice %arg16[%run_scoped3A_102, %dma_wait3A_147, %dma_wait3A_148] : memref<4x128x128xf32, #tpu.memory_space<vmem>> -> memref<1x128x128xf32, #tpu.memory_space<vmem>>
      %dma_wait3A_150 = tpu.memref_squeeze %dma_wait3A_149 : memref<1x128x128xf32, #tpu.memory_space<vmem>> -> memref<128x128xf32, #tpu.memory_space<vmem>>
      tpu.wait_dma2 semaphore(%run_scoped3A_126 : memref<!tpu.dma_semaphore, #tpu.memory_space<semaphore_mem>>) src(%dma_wait3A_150 : memref<128x128xf32, #tpu.memory_space<vmem>>) dst(%dma_wait3A_146 : memref<128x128xf32, #tpu.memory_space<hbm>>)
      tpu.yield
    }) : () -> ()
    %dma_wait3A_103 = arith.constant 15 : i32
    %dma_wait3A_104 = arith.constant 3 : i32
    %dma_wait3A_105 = arith.constant 0 : i32
    %dma_wait3A_106 = arith.constant 0 : i32
    %dma_wait3A_107 = tpu.memref_slice %arg16[%dma_wait3A_104, %dma_wait3A_105, %dma_wait3A_106] : memref<4x128x128xf32, #tpu.memory_space<vmem>> -> memref<1x128x128xf32, #tpu.memory_space<vmem>>
    %dma_wait3A_108 = tpu.memref_squeeze %dma_wait3A_107 : memref<1x128x128xf32, #tpu.memory_space<vmem>> -> memref<128x128xf32, #tpu.memory_space<vmem>>
    %dma_wait3A_109 = arith.constant 0 : i32
    %dma_wait3A_110 = tpu.memref_slice %arg13[%dma_wait3A_103, %dma_wait3A_109] : memref<16x128xi32, #tpu.memory_space<vmem>> -> memref<1x128xi32, #tpu.memory_space<vmem>>
    %dma_wait3A_111 = tpu.memref_squeeze %dma_wait3A_110 : memref<1x128xi32, #tpu.memory_space<vmem>> -> memref<128xi32, #tpu.memory_space<vmem>>
    %dma_wait3A_112 = arith.constant 0 : i32
    %dma_wait3A_113 = arith.constant 0 : i32
    %dma_wait3A_114 = tpu.memref_slice %arg2[%dma_wait3A_112, %dma_wait3A_113] : memref<400000x128xf32, #tpu.memory_space<hbm>> -> memref<400000x128xf32, #tpu.memory_space<hbm>>
    tpu.wait_indirect_dma semaphore(%arg22 : memref<!tpu.dma_semaphore, #tpu.memory_space<semaphore_mem>>) src(%dma_wait3A_114 : memref<400000x128xf32, #tpu.memory_space<hbm>>) dst(%dma_wait3A_108 : memref<128x128xf32, #tpu.memory_space<vmem>>)
    %add3A_115 = arith.constant 1920 : i32
    %add3A_116 = arith.addi %mul3A_55, %add3A_115 : i32
    %run_scoped3A_117 = arith.constant 3 : i32
    "tpu.region"() ({
      %run_scoped3A_126 = tpu.sem_alloc : memref<!tpu.dma_semaphore, #tpu.memory_space<semaphore_mem>>
      %dma_start3A_127 = arith.constant 0 : i32
      %dma_start3A_128 = arith.constant 0 : i32
      %dma_start3A_129 = tpu.memref_slice %arg16[%run_scoped3A_117, %dma_start3A_127, %dma_start3A_128] : memref<4x128x128xf32, #tpu.memory_space<vmem>> -> memref<1x128x128xf32, #tpu.memory_space<vmem>>
      %dma_start3A_130 = tpu.memref_squeeze %dma_start3A_129 : memref<1x128x128xf32, #tpu.memory_space<vmem>> -> memref<128x128xf32, #tpu.memory_space<vmem>>
      %dma_start3A_131 = arith.constant 0 : i32
      %dma_start3A_132 = tpu.memref_slice %arg10[%add3A_116, %dma_start3A_131] : memref<65536x128xf32, #tpu.memory_space<hbm>> -> memref<128x128xf32, #tpu.memory_space<hbm>>
      %dma_start3A_133 = arith.constant 0 : i32
      %dma_start3A_134 = tpu.memref_slice %arg10[%add3A_116, %dma_start3A_133] : memref<65536x128xf32, #tpu.memory_space<hbm>> -> memref<128x128xf32, #tpu.memory_space<hbm>>
      %dma_start3A_135 = arith.constant 0 : i32
      %dma_start3A_136 = arith.constant 0 : i32
      %dma_start3A_137 = tpu.memref_slice %arg16[%run_scoped3A_117, %dma_start3A_135, %dma_start3A_136] : memref<4x128x128xf32, #tpu.memory_space<vmem>> -> memref<1x128x128xf32, #tpu.memory_space<vmem>>
      %dma_start3A_138 = tpu.memref_squeeze %dma_start3A_137 : memref<1x128x128xf32, #tpu.memory_space<vmem>> -> memref<128x128xf32, #tpu.memory_space<vmem>>
      tpu.enqueue_dma source(%dma_start3A_138 : memref<128x128xf32, #tpu.memory_space<vmem>>) target(%dma_start3A_134 : memref<128x128xf32, #tpu.memory_space<hbm>>) target_semaphore(%run_scoped3A_126 : memref<!tpu.dma_semaphore, #tpu.memory_space<semaphore_mem>>)
      %dma_wait3A_139 = arith.constant 0 : i32
      %dma_wait3A_140 = arith.constant 0 : i32
      %dma_wait3A_141 = tpu.memref_slice %arg16[%run_scoped3A_117, %dma_wait3A_139, %dma_wait3A_140] : memref<4x128x128xf32, #tpu.memory_space<vmem>> -> memref<1x128x128xf32, #tpu.memory_space<vmem>>
      %dma_wait3A_142 = tpu.memref_squeeze %dma_wait3A_141 : memref<1x128x128xf32, #tpu.memory_space<vmem>> -> memref<128x128xf32, #tpu.memory_space<vmem>>
      %dma_wait3A_143 = arith.constant 0 : i32
      %dma_wait3A_144 = tpu.memref_slice %arg10[%add3A_116, %dma_wait3A_143] : memref<65536x128xf32, #tpu.memory_space<hbm>> -> memref<128x128xf32, #tpu.memory_space<hbm>>
      %dma_wait3A_145 = arith.constant 0 : i32
      %dma_wait3A_146 = tpu.memref_slice %arg10[%add3A_116, %dma_wait3A_145] : memref<65536x128xf32, #tpu.memory_space<hbm>> -> memref<128x128xf32, #tpu.memory_space<hbm>>
      %dma_wait3A_147 = arith.constant 0 : i32
      %dma_wait3A_148 = arith.constant 0 : i32
      %dma_wait3A_149 = tpu.memref_slice %arg16[%run_scoped3A_117, %dma_wait3A_147, %dma_wait3A_148] : memref<4x128x128xf32, #tpu.memory_space<vmem>> -> memref<1x128x128xf32, #tpu.memory_space<vmem>>
      %dma_wait3A_150 = tpu.memref_squeeze %dma_wait3A_149 : memref<1x128x128xf32, #tpu.memory_space<vmem>> -> memref<128x128xf32, #tpu.memory_space<vmem>>
      tpu.wait_dma2 semaphore(%run_scoped3A_126 : memref<!tpu.dma_semaphore, #tpu.memory_space<semaphore_mem>>) src(%dma_wait3A_150 : memref<128x128xf32, #tpu.memory_space<vmem>>) dst(%dma_wait3A_146 : memref<128x128xf32, #tpu.memory_space<hbm>>)
      tpu.yield
    }) : () -> ()
    %dma_wait3A_118 = arith.constant 0 : i32
    %dma_wait3A_119 = arith.constant 0 : i32
    %dma_wait3A_120 = tpu.memref_slice %arg2[%dma_wait3A_118, %dma_wait3A_119] : memref<400000x128xf32, #tpu.memory_space<hbm>> -> memref<400000x128xf32, #tpu.memory_space<hbm>>
    tpu.wait_indirect_dma semaphore(%arg17 : memref<!tpu.dma_semaphore, #tpu.memory_space<semaphore_mem>>) src(%dma_wait3A_120 : memref<400000x128xf32, #tpu.memory_space<hbm>>) dst(%arg14 : memref<64x128xf32, #tpu.memory_space<vmem>>)
    %mul3A_121 = arith.constant 32 : i32
    %mul3A_122 = arith.muli %add3A, %mul3A_121 : i32
    "tpu.region"() ({
      %run_scoped3A_126 = tpu.sem_alloc : memref<!tpu.dma_semaphore, #tpu.memory_space<semaphore_mem>>
      %dma_start3A_127 = arith.constant 0 : i32
      %dma_start3A_128 = arith.constant 0 : i32
      %dma_start3A_129 = tpu.memref_slice %arg14[%dma_start3A_127, %dma_start3A_128] : memref<64x128xf32, #tpu.memory_space<vmem>> -> memref<32x128xf32, #tpu.memory_space<vmem>>
      %dma_start3A_130 = arith.constant 0 : i32
      %dma_start3A_131 = tpu.memref_slice %arg7[%mul3A_122, %dma_start3A_130] : memref<1024x128xf32, #tpu.memory_space<hbm>> -> memref<32x128xf32, #tpu.memory_space<hbm>>
      %dma_start3A_132 = arith.constant 0 : i32
      %dma_start3A_133 = tpu.memref_slice %arg7[%mul3A_122, %dma_start3A_132] : memref<1024x128xf32, #tpu.memory_space<hbm>> -> memref<32x128xf32, #tpu.memory_space<hbm>>
      %dma_start3A_134 = arith.constant 0 : i32
      %dma_start3A_135 = arith.constant 0 : i32
      %dma_start3A_136 = tpu.memref_slice %arg14[%dma_start3A_134, %dma_start3A_135] : memref<64x128xf32, #tpu.memory_space<vmem>> -> memref<32x128xf32, #tpu.memory_space<vmem>>
      tpu.enqueue_dma source(%dma_start3A_136 : memref<32x128xf32, #tpu.memory_space<vmem>>) target(%dma_start3A_133 : memref<32x128xf32, #tpu.memory_space<hbm>>) target_semaphore(%run_scoped3A_126 : memref<!tpu.dma_semaphore, #tpu.memory_space<semaphore_mem>>)
      %dma_wait3A_137 = arith.constant 0 : i32
      %dma_wait3A_138 = arith.constant 0 : i32
      %dma_wait3A_139 = tpu.memref_slice %arg14[%dma_wait3A_137, %dma_wait3A_138] : memref<64x128xf32, #tpu.memory_space<vmem>> -> memref<32x128xf32, #tpu.memory_space<vmem>>
      %dma_wait3A_140 = arith.constant 0 : i32
      %dma_wait3A_141 = tpu.memref_slice %arg7[%mul3A_122, %dma_wait3A_140] : memref<1024x128xf32, #tpu.memory_space<hbm>> -> memref<32x128xf32, #tpu.memory_space<hbm>>
      %dma_wait3A_142 = arith.constant 0 : i32
      %dma_wait3A_143 = tpu.memref_slice %arg7[%mul3A_122, %dma_wait3A_142] : memref<1024x128xf32, #tpu.memory_space<hbm>> -> memref<32x128xf32, #tpu.memory_space<hbm>>
      %dma_wait3A_144 = arith.constant 0 : i32
      %dma_wait3A_145 = arith.constant 0 : i32
      %dma_wait3A_146 = tpu.memref_slice %arg14[%dma_wait3A_144, %dma_wait3A_145] : memref<64x128xf32, #tpu.memory_space<vmem>> -> memref<32x128xf32, #tpu.memory_space<vmem>>
      tpu.wait_dma2 semaphore(%run_scoped3A_126 : memref<!tpu.dma_semaphore, #tpu.memory_space<semaphore_mem>>) src(%dma_wait3A_146 : memref<32x128xf32, #tpu.memory_space<vmem>>) dst(%dma_wait3A_143 : memref<32x128xf32, #tpu.memory_space<hbm>>)
      tpu.yield
    }) : () -> ()
    "tpu.region"() ({
      %run_scoped3A_126 = tpu.sem_alloc : memref<!tpu.dma_semaphore, #tpu.memory_space<semaphore_mem>>
      %dma_start3A_127 = arith.constant 32 : i32
      %dma_start3A_128 = arith.constant 0 : i32
      %dma_start3A_129 = tpu.memref_slice %arg14[%dma_start3A_127, %dma_start3A_128] : memref<64x128xf32, #tpu.memory_space<vmem>> -> memref<32x128xf32, #tpu.memory_space<vmem>>
      %dma_start3A_130 = arith.constant 0 : i32
      %dma_start3A_131 = tpu.memref_slice %arg8[%mul3A_122, %dma_start3A_130] : memref<1024x128xf32, #tpu.memory_space<hbm>> -> memref<32x128xf32, #tpu.memory_space<hbm>>
      %dma_start3A_132 = arith.constant 0 : i32
      %dma_start3A_133 = tpu.memref_slice %arg8[%mul3A_122, %dma_start3A_132] : memref<1024x128xf32, #tpu.memory_space<hbm>> -> memref<32x128xf32, #tpu.memory_space<hbm>>
      %dma_start3A_134 = arith.constant 32 : i32
      %dma_start3A_135 = arith.constant 0 : i32
      %dma_start3A_136 = tpu.memref_slice %arg14[%dma_start3A_134, %dma_start3A_135] : memref<64x128xf32, #tpu.memory_space<vmem>> -> memref<32x128xf32, #tpu.memory_space<vmem>>
      tpu.enqueue_dma source(%dma_start3A_136 : memref<32x128xf32, #tpu.memory_space<vmem>>) target(%dma_start3A_133 : memref<32x128xf32, #tpu.memory_space<hbm>>) target_semaphore(%run_scoped3A_126 : memref<!tpu.dma_semaphore, #tpu.memory_space<semaphore_mem>>)
      %dma_wait3A_137 = arith.constant 32 : i32
      %dma_wait3A_138 = arith.constant 0 : i32
      %dma_wait3A_139 = tpu.memref_slice %arg14[%dma_wait3A_137, %dma_wait3A_138] : memref<64x128xf32, #tpu.memory_space<vmem>> -> memref<32x128xf32, #tpu.memory_space<vmem>>
      %dma_wait3A_140 = arith.constant 0 : i32
      %dma_wait3A_141 = tpu.memref_slice %arg8[%mul3A_122, %dma_wait3A_140] : memref<1024x128xf32, #tpu.memory_space<hbm>> -> memref<32x128xf32, #tpu.memory_space<hbm>>
      %dma_wait3A_142 = arith.constant 0 : i32
      %dma_wait3A_143 = tpu.memref_slice %arg8[%mul3A_122, %dma_wait3A_142] : memref<1024x128xf32, #tpu.memory_space<hbm>> -> memref<32x128xf32, #tpu.memory_space<hbm>>
      %dma_wait3A_144 = arith.constant 32 : i32
      %dma_wait3A_145 = arith.constant 0 : i32
      %dma_wait3A_146 = tpu.memref_slice %arg14[%dma_wait3A_144, %dma_wait3A_145] : memref<64x128xf32, #tpu.memory_space<vmem>> -> memref<32x128xf32, #tpu.memory_space<vmem>>
      tpu.wait_dma2 semaphore(%run_scoped3A_126 : memref<!tpu.dma_semaphore, #tpu.memory_space<semaphore_mem>>) src(%dma_wait3A_146 : memref<32x128xf32, #tpu.memory_space<vmem>>) dst(%dma_wait3A_143 : memref<32x128xf32, #tpu.memory_space<hbm>>)
      tpu.yield
    }) : () -> ()
    %dma_wait3A_123 = arith.constant 0 : i32
    %dma_wait3A_124 = arith.constant 0 : i32
    %dma_wait3A_125 = tpu.memref_slice %arg3[%dma_wait3A_123, %dma_wait3A_124] : memref<1000x128xf32, #tpu.memory_space<hbm>> -> memref<1000x128xf32, #tpu.memory_space<hbm>>
    tpu.wait_indirect_dma semaphore(%arg18 : memref<!tpu.dma_semaphore, #tpu.memory_space<semaphore_mem>>) src(%dma_wait3A_125 : memref<1000x128xf32, #tpu.memory_space<hbm>>) dst(%arg15 : memref<32x128xf32, #tpu.memory_space<vmem>>)
    "tpu.region"() ({
      %run_scoped3A_126 = tpu.sem_alloc : memref<!tpu.dma_semaphore, #tpu.memory_space<semaphore_mem>>
      %dma_start3A_127 = arith.constant 0 : i32
      %dma_start3A_128 = tpu.memref_slice %arg9[%mul3A_122, %dma_start3A_127] : memref<1024x128xf32, #tpu.memory_space<hbm>> -> memref<32x128xf32, #tpu.memory_space<hbm>>
      %dma_start3A_129 = arith.constant 0 : i32
      %dma_start3A_130 = tpu.memref_slice %arg9[%mul3A_122, %dma_start3A_129] : memref<1024x128xf32, #tpu.memory_space<hbm>> -> memref<32x128xf32, #tpu.memory_space<hbm>>
      tpu.enqueue_dma source(%arg15 : memref<32x128xf32, #tpu.memory_space<vmem>>) target(%dma_start3A_130 : memref<32x128xf32, #tpu.memory_space<hbm>>) target_semaphore(%run_scoped3A_126 : memref<!tpu.dma_semaphore, #tpu.memory_space<semaphore_mem>>)
      %dma_wait3A_131 = arith.constant 0 : i32
      %dma_wait3A_132 = tpu.memref_slice %arg9[%mul3A_122, %dma_wait3A_131] : memref<1024x128xf32, #tpu.memory_space<hbm>> -> memref<32x128xf32, #tpu.memory_space<hbm>>
      %dma_wait3A_133 = arith.constant 0 : i32
      %dma_wait3A_134 = tpu.memref_slice %arg9[%mul3A_122, %dma_wait3A_133] : memref<1024x128xf32, #tpu.memory_space<hbm>> -> memref<32x128xf32, #tpu.memory_space<hbm>>
      tpu.wait_dma2 semaphore(%run_scoped3A_126 : memref<!tpu.dma_semaphore, #tpu.memory_space<semaphore_mem>>) src(%arg15 : memref<32x128xf32, #tpu.memory_space<vmem>>) dst(%dma_wait3A_134 : memref<32x128xf32, #tpu.memory_space<hbm>>)
      tpu.yield
    }) : () -> ()
    return
  }
}

</mosaic_0001>

<sc_bundles>
// kernel: _sc_gather.3.cloned.1.call-start
scs
__scs_entry_jumppad:
0x0: {  	(pc) =	sbr.rel $0x88, $3  }
0x1: {  	(tag) =	ssettag $0x0;
	lr =	simm.s32 $0x1  }
0x2: {  	[smem:$0x3F9C] =	sst lr;
	_ =	strace $0xD0000000  }
0x3: {  	_ = 	snop  }
0x4: {  	_ = 	snop  }
0x5: {  	_ = 	snop  }
0x6: {  	_ = 	snop  }
0x7: {  	_ = 	snop  }
__scs_overlays_trampoline_lowered:
0x8: {  	[smem:$0x3FAB] =	sst s0  }
0x9: {  	[smem:$0x3FAC] =	sst s1  }
0xa: {  	[smem:$0x3FAD] =	sst s2  }
0xb: {  	[smem:$0x3FAE] =	sst s3  }
0xc: {  	[smem:$0x3FAF] =	sst s4  }
0xd: {  	[smem:$0x3FB0] =	sst s5  }
0xe: {  	[smem:$0x3FB1] =	sst s6  }
0xf: {  	[smem:$0x3FB2] =	sst s7  }
0x10: {  	[smem:$0x3FB3] =	sst s8  }
0x11: {  	[smem:$0x3FB4] =	sst s9;
	s0 =	simm.s32 @!p0 $0x0  }
0x12: {  	s1 =	sld [smem:$0x3F9A];
	s0 =	simm.s32 @p0 $0x1  }
0x13: {  	[smem:$0x3FB5] =	sst s0;
	s0 =	simm.s32 @!p1 $0x0  }
0x14: {  	s2 =	sld [smem:$0x3F99];
	s0 =	simm.s32 @p1 $0x1  }
0x15: {  	[smem:$0x3FB6] =	sst s0;
	s0 =	simm.s32 @!p2 $0x0  }
0x16: {  	s3 =	sld [smem:$0x3FDB];
	s0 =	simm.s32 @p2 $0x1  }
0x17: {  	s4 =	simm.s32 $0x1BF5;
	[smem:$0x3FB8] =	sst s0  }
0x18: {  	s0 =	sld [smem:$0x3F9B];
	_ =	swait.ge [sflag:s4], $0x0  }
0x19: {  	s7 =	sld [smem:$0x3F9C]  }
0x1a: {  	s8 =	sadd.s32 $0xFFFFE003, lr  }
0x1b: {  	s9 =	sadd.s32 $0xFFFFFEF7, lr;
	s5 =	simm.s32 $0xFFFFFFFF;
	p2 =	slt.u32 s8, $0xFFFFF086  }
0x1c: {  	p1 =	slt.u32 s9, $0xF7A;
	s5 =	simm.s32 @!p2 $0x0  }
0x1d: {  	s5 =	simm.s32 @p1 $0x1;
	p0 =	seq.s32 s7, s2  }
0x1e: {  	s7 =	smul.u32 @!p0 $0xF7A, s2;
	p2 =	seq.s32 @!p0 s5, $0x0  }
0x1f: {  	s9 =	smul.u32 $0xF7A, s1;
	s8 =	simm.s32 @!p0 $0x1BF5;
	p2 =	por !p2, p0  }
0x20: {  	[sflag:s8] =	ssyncset.s32 @!p0 $0xFFFFF086;
	s6 =	sadd.s32 @!p0 s3, s7;
	s7 =	simm.s32 @!p0 $0x108  }
0x21: {  	s3 =	sadd.s32 s3, s9;
	s6 =	sadd.s32 @!p0 $0x88, s6;
	s7 =	simm.s32 @p2 $0x1082  }
0x22: {  	[simem:s7], [sflag:s8] =	dma.local @!p0 [hbm:s6], $0xF7A  }
0x23: {  	s9 =	sor.u32 $0xD0000000, s2;
	s6 =	simm.s32 $0x108;
	_ =	swait.ge @!p0 [sflag:s8], $0x0  }
0x24: {  	s3 =	sadd.s32 $0x88, s3;
	s6 =	simm.s32 @!p1 $0x1082;
	[sflag:s4] =	ssyncset.s32 $0xFFFFF086  }
0x25: {  	[simem:s6], [sflag:s4] =	dma.local [hbm:s3], $0xF7A  }
0x26: {  	[smem:$0x3F9C] =	sst s1;
	(tag) =	ssettag s2;
	_ =	strace s9  }
0x27: {  	s1 =	sld [smem:$0x3FAC]  }
0x28: {  	s2 =	sld [smem:$0x3FAD]  }
0x29: {  	s4 =	sld [smem:$0x3FAF]  }
0x2a: {  	p0 =	seq.s32 s5, $0x0;
	s5 =	sld [smem:$0x3FB0]  }
0x2b: {  	s6 =	sld [smem:$0x3FB1]  }
0x2c: {  	s7 =	sld [smem:$0x3FB2]  }
0x2d: {  	s3 =	simm.s32 $0x108;
	s8 =	sld [smem:$0x3FB3]  }
0x2e: {  	s3 =	simm.s32 @!p0 $0x1082;
	s9 =	sld [smem:$0x3FB4]  }
0x2f: {  	lr =	sadd.s32 s0, s3;
	s0 =	sld [smem:$0x3FAB]  }
0x30: {  	s3 =	sld [smem:$0x3FAE]  }
0x31: {  	[smem:$0x3FB7] =	sst s10  }
0x32: {  	s10 =	sld [smem:$0x3FB5];
	_ =	sdelay $0x3  }
0x33: {  	p0 =	seq.s32 s10, $0x1;
	s10 =	sld [smem:$0x3FB7];
	_ =	sdelay $0x3  }
0x34: {  	[smem:$0x3FB7] =	sst s10  }
0x35: {  	s10 =	sld [smem:$0x3FB6];
	_ =	sdelay $0x3  }
0x36: {  	p1 =	seq.s32 s10, $0x1;
	s10 =	sld [smem:$0x3FB7];
	_ =	sdelay $0x3  }
0x37: {  	[smem:$0x3FB7] =	sst s10  }
0x38: {  	s10 =	sld [smem:$0x3FB8]  }
0x39: {  	_ = 	snop;
	(pc) =	sbr.ind lr, $3  }
0x3a: {  	_ = 	snop  }
0x3b: {  	_ = 	snop  }
0x3c: {  	p2 =	seq.s32 s10, $0x1;
	s10 =	sld [smem:$0x3FB7]  }
0x3d: {  	_ =	shalt  }
0x3e: {  	_ =	shalt  }
0x3f: {  	_ =	shalt  }
0x40: {  	_ =	shalt  }
0x41: {  	_ =	shalt  }
0x42: {  	_ =	shalt  }
0x43: {  	_ =	shalt  }
0x44: {  	_ =	shalt  }
0x45: {  	_ =	shalt  }
0x46: {  	_ =	shalt  }
0x47: {  	_ =	shalt  }
0x48: {  	_ =	shalt  }
0x49: {  	_ =	shalt  }
0x4a: {  	_ =	shalt  }
0x4b: {  	_ =	shalt  }
0x4c: {  	_ =	shalt  }
0x4d: {  	_ =	shalt  }
0x4e: {  	_ =	shalt  }
0x4f: {  	_ =	shalt  }
0x50: {  	_ =	shalt  }
0x51: {  	_ =	shalt  }
0x52: {  	_ =	shalt  }
0x53: {  	_ =	shalt  }
0x54: {  	_ =	shalt  }
0x55: {  	_ =	shalt  }
0x56: {  	_ =	shalt  }
0x57: {  	_ =	shalt  }
0x58: {  	_ =	shalt  }
0x59: {  	_ =	shalt  }
0x5a: {  	_ =	shalt  }
0x5b: {  	_ =	shalt  }
0x5c: {  	_ =	shalt  }
0x5d: {  	_ =	shalt  }
0x5e: {  	_ =	shalt  }
0x5f: {  	_ =	shalt  }
0x60: {  	_ =	shalt  }
0x61: {  	_ =	shalt  }
0x62: {  	_ =	shalt  }
0x63: {  	_ =	shalt  }
0x64: {  	_ =	shalt  }
0x65: {  	_ =	shalt  }
0x66: {  	_ =	shalt  }
0x67: {  	_ =	shalt  }
0x68: {  	_ =	shalt  }
0x69: {  	_ =	shalt  }
0x6a: {  	_ =	shalt  }
0x6b: {  	_ =	shalt  }
0x6c: {  	_ =	shalt  }
0x6d: {  	_ =	shalt  }
0x6e: {  	_ =	shalt  }
0x6f: {  	_ =	shalt  }
0x70: {  	_ =	shalt  }
0x71: {  	_ =	shalt  }
0x72: {  	_ =	shalt  }
0x73: {  	_ =	shalt  }
0x74: {  	_ =	shalt  }
0x75: {  	_ =	shalt  }
0x76: {  	_ =	shalt  }
0x77: {  	_ =	shalt  }
0x78: {  	_ =	shalt  }
0x79: {  	_ =	shalt  }
0x7a: {  	_ =	shalt  }
0x7b: {  	_ =	shalt  }
0x7c: {  	_ =	shalt  }
0x7d: {  	_ =	shalt  }
0x7e: {  	_ =	shalt  }
0x7f: {  	_ =	shalt  }
0x80: {  	_ =	shalt  }
0x81: {  	_ =	shalt  }
0x82: {  	_ =	shalt  }
0x83: {  	_ =	shalt  }
0x84: {  	_ =	shalt  }
0x85: {  	_ =	shalt  }
0x86: {  	_ =	shalt  }
0x87: {  	_ =	shalt  }
.Lfunc_end0:
.L_simem_size_0:
called_computation_lowered:
.L_overlay_start_0:
0x88: {  	s2 =	sld [smem:$0x3FD9]  }
0x89: {  	s3 =	sld [smem:$0x3FFE];
	_ =	sdelay $0x1  }
0x8a: {  	s1 =	srdreg.scid  }
0x8b: {  	s0 =	sand.u32 $0x1, s1  }
0x8c: {  	s15 =	sshll.u32 s0, $0xA;
	s2 =	sadd.s32 s3, s2  }
0x8d: {  	s2 =	sadd.s32 s2, s15  }
0x8e: {  	[smem:$0x3FC3] =	sst s2  }
0x8f: {  	_ = 	snop  }
0x90: {  	s2 =	sld [smem:$0x3FC9]  }
0x91: {  	s16 =	sld [smem:$0x3FC8]  }
0x92: {  	s4 =	sld [smem:$0x3FD0]  }
0x93: {  	s5 =	sld [smem:$0x3FC7]  }
0x94: {  	s6 =	sld [smem:$0x3FC6]  }
0x95: {  	s8 =	simm.s32 $0xA;
	s9 =	simm.s32 $0x10;
	s7 =	sld [smem:$0x3FC5]  }
0x96: {  	[smem:s9], [sflag:s8] =	dma.local [hbm:s4], $0x1  }
0x97: {  	_ =	swait.eq [sflag:s8], $0x1  }
0x98: {  	s17 =	sld [smem:$0x10]  }
0x99: {  	s18 =	sld [smem:$0x11];
	[sflag:s8] =	ssyncset.done $0x0  }
0x9a: {  	s10 =	sld [smem:$0x12];
	[sflag:s8] =	ssyncadd.s32 $0xFFFFFFFF  }
0x9b: {  	s19 =	sld [smem:$0x13];
	(tm) =	ssettm $0x1  }
0x9c: {  	s11 =	sld [smem:$0x3FFB];
	_ =	sdelay $0x3  }
0x9d: {  	_ =	strace s11  }
0x9e: {  	s11 =	sld [smem:$0x3FFC];
	_ =	sdelay $0x3  }
0x9f: {  	_ =	strace s11  }
0xa0: {  	s11 =	sld [smem:$0x3FFD];
	_ =	sdelay $0x3  }
0xa1: {  	_ =	strace s11  }
0xa2: {  	_ =	strace $0x8FFFFFFF  }
0xa3: {  	s20 =	sld [smem:$0x3FDB];
	_ =	sdelay $0x1  }
0xa4: {  	s12 =	simm.s32 $_scs_section_size  }
0xa5: {  	s13 =	simm.s32 $_size__tile_overlayer_lowered;
	s14 =	simm.s32 $_tile_overlayer_lowered  }
0xa6: {  	s23 =	simm.s32 $0x1BFF;
	s22 =	sshll.u32 s14, $0x1;
	s11 =	sadd.s32 s12, s20  }
0xa7: {  	s21 =	sshll.u32 s13, $0x1;
	s15 =	simm.s32 $0x0;
	s13 =	sadd.s32 s22, s11  }
0xa8: {  	[timem:s15], [sflag:s23] =	dma.local [hbm:s13], s21  }
0xa9: {  	_ =	swait.ge [sflag:s23], s21  }
0xaa: {  	s12 =	ssub.s32 $0x0, s21;
	[sflag:s23] =	ssyncset.done $0x0  }
0xab: {  	[sflag:s23] =	ssyncadd.s32 s12;
	_ =	sdelay $0x1  }
0xac: {  	s24 =	simm.s32 $0x1B8B  }
0xad: {  	_ =	swait.ge [sflag:s24], $0x1  }
0xae: {  	[sflag:s24] =	ssyncset.done $0x0  }
0xaf: {  	s25 =	simm.s32 $0x1B8E;
	[sflag:s24] =	ssyncadd.s32 $0xFFFFFFFF  }
0xb0: {  	s26 =	simm.s32 $execute0_lowered;
	[smem:$0x3FD2] =	sst s25  }
0xb1: {  	s12 =	sshll.u32 s26, $0x1;
	_ =	strace $0x80000046;
	[dreg:$0x1] =	wrdreg $0xFFFFFFFF  }
0xb2: {  	s28 =	simm.s32 $_size_execute0_lowered;
	s11 =	sadd.s32 s11, s12;
	[dreg:$0x0] =	wrdreg $0x0  }
0xb3: {  	s12 =	sshll.u32 s28, $0x1;
	[dreg:$0x2] =	wrdreg s11  }
0xb4: {  	[dreg:$0x3] =	wrdreg s12  }
0xb5: {  	[dreg:$0x4] =	wrdreg $0xC0  }
0xb6: {  	_ =	task [dreg:s15], $0x5FFFF  }
0xb7: {  	[dreg:$0x1] =	wrdreg $0xFFFFFFFF  }
0xb8: {  	[dreg:$0x0] =	wrdreg $0x60  }
0xb9: {  	[dreg:$0x2] =	wrdreg s2  }
0xba: {  	[dreg:$0x3] =	wrdreg s16  }
0xbb: {  	[dreg:$0x4] =	wrdreg s5  }
0xbc: {  	[dreg:$0x5] =	wrdreg s6  }
0xbd: {  	[dreg:$0x6] =	wrdreg s7  }
0xbe: {  	[dreg:$0x7] =	wrdreg s17  }
0xbf: {  	[dreg:$0x8] =	wrdreg s18  }
0xc0: {  	[dreg:$0x9] =	wrdreg s10  }
0xc1: {  	[dreg:$0xa] =	wrdreg s19  }
0xc2: {  	[dreg:$0xb] =	wrdreg $0x9  }
0xc3: {  	_ =	task.clear_ibuf [dreg:s15], $0xCFFFF;
	_ =	strace $0x90000046  }
0xc4: {  	s29 =	simm.s32 $0x9;
	_ =	strace $0x80000048  }
0xc5: {  	_ =	swait.ge [sflag:s29], $0x1  }
0xc6: {  	[sflag:s29] =	ssyncadd.s32 $0xFFFFFFFF  }
0xc7: {  	_ =	strace $0x90000048  }
0xc8: {  	_ =	sfence  }
0xc9: {  	s30 =	sld [smem:$0x0];
	_ =	sdelay $0x2  }
0xca: {  	s31 =	sshll.u32 s1, $0xD;
	s1 =	sshrl.u32 s1, $0x2  }
0xcb: {  	s3 =	sand.u32 $0x4000, s31;
	s1 =	sadd.s32 s1, s30  }
0xcc: {  	s0 =	sor.u32 s3, s0;
	s1 =	sshll.u32 s1, $0x11  }
0xcd: {  	s0 =	sor.u32 s1, s0  }
0xce: {  	s0 =	sadd.s32 $0x8F2B, s0  }
0xcf: {  	[sflag:s0] =	ssyncadd.remote.s32 $0x1  }
0xd0: {  	_ =	sfence.sel $0xFFFF  }
0xd1: {  	[dreg:$0x0] =	wrdreg $0xFFFFFFFF;
	(pc) =	sbr.abs _section_cstart, $3  }
0xd2: {  	[dreg:$0x1] =	wrdreg $0xFFFFFFFF  }
0xd3: {  	_ =	task.clear_ibuf [dreg:s15], $0x2FFFF;
	_ =	strace $0x9FFFFFFF  }
0xd4: {  	(tm) =	ssettm $0x7FFFFFFF  }
0xd5: {  	_ =	shalt  }
tec
execute0_lowered:
.L_overlay_start_1:
0x0: {  	(tag) =	ssettag $0x1  }
0x1: {  	s3 =	rddreg [dreg:$0x0]  }
0x2: {  	s0 =	rddreg [dreg:$0x1]  }
0x3: {  	s15 =	rddreg [dreg:$0x2]  }
0x4: {  	s1 =	rddreg [dreg:$0x3]  }
0x5: {  	s4 =	rddreg [dreg:$0x4]  }
0x6: {  	s5 =	rddreg [dreg:$0x5]  }
0x7: {  	s6 =	rddreg [dreg:$0x6]  }
0x8: {  	s2 =	srdreg.scid;
	s19 =	stileid.u32  }
0x9: {  	s7 =	rddreg [dreg:$0x7];
	s9 =	sand.u32 $0x1, s2;
	s10 =	sshll.u32 s19, $0x1  }
0xa: {  	s8 =	rddreg [dreg:$0x8];
	s10 =	sor.u32 s9, s10  }
0xb: {  	[dreg:$0xa] =	wrdreg s0;
	s2 =	simm.s32 $0x0;
	s11 =	sshll.u32 s10, $0x8  }
0xc: {  	[smem:$0x7FF] =	sst s2;
	s16 =	sshll.u32 s10, $0x4;
	s4 =	sadd.s32 s4, s11  }
0xd: {  	_ =	strace $0x80000047;
	s0 =	sadd.s32 s15, s16;
	[dreg:$0xb] =	wrdreg s4  }
0xe: {  	s24 =	sshll.u32 s10, $0x9;
	s17 =	sadd.s32 s1, s16;
	[dreg:$0xc] =	wrdreg s0  }
0xf: {  	s25 =	sadd.s32 s5, s24;
	[dreg:$0xd] =	wrdreg s17  }
0x10: {  	s26 =	sadd.s32 s6, s24;
	[dreg:$0x12] =	wrdreg s25  }
0x11: {  	s12 =	sshll.u32 s10, $0xF;
	s1 =	sadd.s32 s7, s24;
	[dreg:$0x13] =	wrdreg s26  }
0x12: {  	s23 =	sadd.s32 s8, s12;
	s24 =	simm.s32 $0x20;
	[dreg:$0x14] =	wrdreg s1  }
0x13: {  	s18 =	sadd.s32 $0x6000, s23;
	[smem:$0x7FB] =	sst s24  }
0x14: {  	s20 =	sadd.s32 $0x6800, s23;
	[dreg:$0xe] =	wrdreg s18  }
0x15: {  	s21 =	sadd.s32 $0x7000, s23;
	[dreg:$0xf] =	wrdreg s20  }
0x16: {  	s22 =	sadd.s32 $0x7800, s23;
	[dreg:$0x10] =	wrdreg s21  }
0x17: {  	s31 =	simm.s32 $0x100;
	s4 =	sadd.s32 $0x800, s23;
	[dreg:$0x11] =	wrdreg s22  }
0x18: {  	s30 =	simm.s32 $0x480;
	s5 =	sadd.s32 $0x1000, s23;
	[dreg:$0x15] =	wrdreg s4  }
0x19: {  	s29 =	simm.s32 $0x500;
	s6 =	sadd.s32 $0x1800, s23;
	[dreg:$0x16] =	wrdreg s5  }
0x1a: {  	s28 =	simm.s32 $0x580;
	s7 =	sadd.s32 $0x2000, s23;
	[dreg:$0x17] =	wrdreg s6  }
0x1b: {  	p0 =	por $0x0, $0x0;
	s8 =	sadd.s32 $0x2800, s23;
	[dreg:$0x18] =	wrdreg s7  }
0x1c: {  	s12 =	ssub.s32 $0x2, s9;
	s10 =	sadd.s32 $0x3000, s23;
	[dreg:$0x19] =	wrdreg s8  }
0x1d: {  	s9 =	simm.s32 $0x7900;
	s11 =	sadd.s32 $0x3800, s23;
	[dreg:$0x1a] =	wrdreg s10  }
0x1e: {  	s13 =	sadd.s32 $0x4000, s23;
	s14 =	sshrl.u32 s12, $0x1;
	[dreg:$0x1b] =	wrdreg s11  }
0x1f: {  	s15 =	sadd.s32 $0x4800, s23;
	s16 =	sadd.s32 $0x5000, s23;
	[dreg:$0x1c] =	wrdreg s13  }
0x20: {  	s17 =	sadd.s32 $0x5800, s23;
	s25 =	simm.s32 $0x300;
	[dreg:$0x1d] =	wrdreg s15  }
0x21: {  	s26 =	simm.s32 $0x380;
	s24 =	simm.s32 $0x700;
	[dreg:$0x1e] =	wrdreg s16  }
0x22: {  	s1 =	ssub.s32 s12, s14;
	[dreg:$0x1f] =	wrdreg s17;
	s4 =	simm.s32 $0x7  }
0x23: {  	s14 =	simm.s32 $0x80;
	s11 =	simm.s32 $0x3900;
	s18 =	simm.s32 $0x180  }
0x24: {  	s20 =	simm.s32 $0x200;
	s8 =	simm.s32 $0xB900;
	s21 =	simm.s32 $0x280  }
0x25: {  	s7 =	simm.s32 $0xF900;
	s22 =	simm.s32 $0x40;
	s6 =	simm.s32 $0x900  }
0x26: {  	s5 =	simm.s32 $0x2900;
	[smem:$0x7FC] =	sst s25;
	s17 =	simm.s32 $0x4  }
0x27: {  	[smem:$0x7FD] =	sst s26;
	s16 =	simm.s32 $0x5;
	s1 =	smax.u32 s1, $0x1  }
0x28: {  	s12 =	simm.s32 $0x6;
	s0 =	rddreg [dreg:$0xb];
	p1 =	sne.s32 s1, $0x1  }
.Ltmp0:
0x29: {  	s26 =	simm.s32 $0x600;
	[smem:$0x7F7] =	sst s18;
	(pc) =	sbr.rel @!p1 .LBB2_1-.Ltmp0, $4  }
0x2a: {  	s25 =	simm.s32 $0x680;
	s15 =	simm.s32 $0x1;
	[smem:$0x7F8] =	sst s20  }
0x2b: {  	s13 =	simm.s32 $0x1900;
	s10 =	simm.s32 $0x2;
	[smem:$0x7F9] =	sst s21  }
0x2c: {  	[smem:$0x7FA] =	sst s22;
	s18 =	simm.s32 $0x3;
	s22 =	simm.s32 $0x780  }
0x2d: {  	s21 =	simm.s32 $0x800;
	s20 =	simm.s32 $0x880;
	s1 =	sadd.s32 $0xFFFFFFFF, s1  }
0x2e: {  	[tilespmem:s31], [sflag:$0x7] =	stream.linear.gather [hbm4b:s0+s2], $0x800, $0x38;
	[tilespmem:$0x13900] =	vst v63  }
0x2f: {  	_ =	swait.ge [sflag:s4], $0x800  }
0x30: {  	[sflag:s4] =	ssyncset.done $0x0  }
0x31: {  	s19 =	rddreg [dreg:$0xc];
	[sflag:s4] =	ssyncadd.s32 $0xFFFFF800  }
0x32: {  	[tilespmem:s2], [sflag:$0x7] =	stream.linear.gather [hbm4b:s19+s2], $0x80, $0x38;
	[tilespmem:$0x13900] =	vst v63  }
0x33: {  	_ =	swait.ge [sflag:s4], $0x80  }
0x34: {  	[sflag:s4] =	ssyncset.done $0x0  }
0x35: {  	s19 =	rddreg [dreg:$0xd];
	[sflag:s4] =	ssyncadd.s32 $0xFFFFFF80  }
0x36: {  	[tilespmem:s14], [sflag:$0x7] =	stream.linear.gather [hbm4b:s19+s2], $0x80, $0x38;
	[tilespmem:$0x13900] =	vst v63  }
0x37: {  	_ =	swait.ge [sflag:s4], $0x80  }
0x38: {  	s19 =	sld [smem:$0x7FB];
	_ =	sdelay $0x2  }
0x39: {  	[sflag:s4] =	ssyncset.done $0x0;
	[smem:$0x7F6] =	sst s19  }
0x3a: {  	[sflag:s4] =	ssyncadd.s32 $0xFFFFFF80;
	s19 =	smov.u32 s1;
	s1 =	sld [smem:$0x7F7]  }
0x3b: {  	[tilespmem:s11], [sflag:$0x3] =	stream.indirect.gather [hbm4b:s3+s14], $0x80, s31, s14, $0xb8;
	[tilespmem:$0x13900] =	vst v63  }
0x3c: {  	s0 =	sld [smem:$0x7F8]  }
0x3d: {  	[tilespmem:s9], [sflag:$0x4] =	stream.indirect.gather [hbm4b:s3+s14], $0x80, s1, s14, $0xb8;
	[tilespmem:$0x13900] =	vst v63  }
0x3e: {  	s1 =	sld [smem:$0x7F9]  }
0x3f: {  	[tilespmem:s8], [sflag:$0x5] =	stream.indirect.gather [hbm4b:s3+s14], $0x80, s0, s14, $0xb8;
	[tilespmem:$0x13900] =	vst v63  }
0x40: {  	s0 =	sld [smem:$0x7FA]  }
0x41: {  	[tilespmem:s7], [sflag:$0x6] =	stream.indirect.gather [hbm4b:s3+s14], $0x80, s1, s14, $0xb8;
	[tilespmem:$0x13900] =	vst v63  }
0x42: {  	_ = 	snop  }
0x43: {  	[tilespmem:s6], [sflag:$0x1] =	stream.indirect.gather [hbm4b:s3+s0], $0x80, s2, s0, $0xb8;
	[tilespmem:$0x13900] =	vst v63  }
0x44: {  	s0 =	sld [smem:$0x7F6];
	_ =	sdelay $0x1  }
0x45: {  	s1 =	rddreg [dreg:$0xa]  }
0x46: {  	[tilespmem:s5], [sflag:$0x2] =	stream.indirect.gather [hbm4b:s1+s0], $0x80, s14, s0, $0xb8;
	[tilespmem:$0x13900] =	vst v63  }
0x47: {  	_ =	swait.ge [sflag:s18], $0x4000  }
0x48: {  	[sflag:s18] =	ssyncset.done $0x0  }
0x49: {  	[sflag:s18] =	ssyncadd.s32 $0xFFFFC000  }
0x4a: {  	[hbm4b:s23+s2] =	stream.linear.scatter [tilespmem:s11], [sflag:$0x7], $0x4000, $0x38;
	[tilespmem:$0x13900] =	vst v63  }
0x4b: {  	_ =	swait.ge [sflag:s4], $0x4000  }
0x4c: {  	s1 =	sld [smem:$0x7FC]  }
0x4d: {  	[sflag:s4] =	ssyncset.done $0x0  }
0x4e: {  	[sflag:s4] =	ssyncadd.s32 $0xFFFFC000  }
0x4f: {  	[tilespmem:s11], [sflag:$0x3] =	stream.indirect.gather [hbm4b:s3+s14], $0x80, s1, s14, $0xb8;
	[tilespmem:$0x13900] =	vst v63  }
0x50: {  	_ =	swait.ge [sflag:s17], $0x4000  }
0x51: {  	[sflag:s17] =	ssyncset.done $0x0  }
0x52: {  	s1 =	rddreg [dreg:$0x15];
	[sflag:s17] =	ssyncadd.s32 $0xFFFFC000  }
0x53: {  	[hbm4b:s1+s2] =	stream.linear.scatter [tilespmem:s9], [sflag:$0x7], $0x4000, $0x38;
	[tilespmem:$0x13900] =	vst v63  }
0x54: {  	_ =	swait.ge [sflag:s4], $0x4000  }
0x55: {  	s1 =	sld [smem:$0x7FD]  }
0x56: {  	[sflag:s4] =	ssyncset.done $0x0  }
0x57: {  	[sflag:s4] =	ssyncadd.s32 $0xFFFFC000  }
0x58: {  	[tilespmem:s9], [sflag:$0x4] =	stream.indirect.gather [hbm4b:s3+s14], $0x80, s1, s14, $0xb8;
	[tilespmem:$0x13900] =	vst v63  }
0x59: {  	_ =	swait.ge [sflag:s16], $0x4000  }
0x5a: {  	[sflag:s16] =	ssyncset.done $0x0  }
0x5b: {  	s1 =	rddreg [dreg:$0x16];
	[sflag:s16] =	ssyncadd.s32 $0xFFFFC000  }
0x5c: {  	[hbm4b:s1+s2] =	stream.linear.scatter [tilespmem:s8], [sflag:$0x7], $0x4000, $0x38;
	[tilespmem:$0x13900] =	vst v63  }
0x5d: {  	_ =	swait.ge [sflag:s4], $0x4000  }
0x5e: {  	[sflag:s4] =	ssyncset.done $0x0  }
0x5f: {  	s1 =	simm.s32 $0x400;
	[sflag:s4] =	ssyncadd.s32 $0xFFFFC000  }
0x60: {  	[tilespmem:s8], [sflag:$0x5] =	stream.indirect.gather [hbm4b:s3+s14], $0x80, s1, s14, $0xb8;
	[tilespmem:$0x13900] =	vst v63  }
0x61: {  	_ =	swait.ge [sflag:s12], $0x4000  }
0x62: {  	[sflag:s12] =	ssyncset.done $0x0  }
0x63: {  	s1 =	rddreg [dreg:$0x17];
	[sflag:s12] =	ssyncadd.s32 $0xFFFFC000  }
0x64: {  	[hbm4b:s1+s2] =	stream.linear.scatter [tilespmem:s7], [sflag:$0x7], $0x4000, $0x38;
	[tilespmem:$0x13900] =	vst v63  }
0x65: {  	_ =	swait.ge [sflag:s4], $0x4000  }
0x66: {  	[sflag:s4] =	ssyncset.done $0x0  }
0x67: {  	[sflag:s4] =	ssyncadd.s32 $0xFFFFC000  }
0x68: {  	[tilespmem:s7], [sflag:$0x6] =	stream.indirect.gather [hbm4b:s3+s14], $0x80, s30, s14, $0xb8;
	[tilespmem:$0x13900] =	vst v63  }
0x69: {  	_ =	swait.ge [sflag:s18], $0x4000  }
0x6a: {  	[sflag:s18] =	ssyncset.done $0x0  }
0x6b: {  	s1 =	rddreg [dreg:$0x18];
	[sflag:s18] =	ssyncadd.s32 $0xFFFFC000  }
0x6c: {  	[hbm4b:s1+s2] =	stream.linear.scatter [tilespmem:s11], [sflag:$0x7], $0x4000, $0x38;
	[tilespmem:$0x13900] =	vst v63  }
0x6d: {  	_ =	swait.ge [sflag:s4], $0x4000  }
0x6e: {  	[sflag:s4] =	ssyncset.done $0x0  }
0x6f: {  	[sflag:s4] =	ssyncadd.s32 $0xFFFFC000  }
0x70: {  	[tilespmem:s11], [sflag:$0x3] =	stream.indirect.gather [hbm4b:s3+s14], $0x80, s29, s14, $0xb8;
	[tilespmem:$0x13900] =	vst v63  }
0x71: {  	_ =	swait.ge [sflag:s17], $0x4000  }
0x72: {  	[sflag:s17] =	ssyncset.done $0x0  }
0x73: {  	s1 =	rddreg [dreg:$0x19];
	[sflag:s17] =	ssyncadd.s32 $0xFFFFC000  }
0x74: {  	[hbm4b:s1+s2] =	stream.linear.scatter [tilespmem:s9], [sflag:$0x7], $0x4000, $0x38;
	[tilespmem:$0x13900] =	vst v63  }
0x75: {  	_ =	swait.ge [sflag:s4], $0x4000  }
0x76: {  	[sflag:s4] =	ssyncset.done $0x0  }
0x77: {  	[sflag:s4] =	ssyncadd.s32 $0xFFFFC000  }
0x78: {  	[tilespmem:s9], [sflag:$0x4] =	stream.indirect.gather [hbm4b:s3+s14], $0x80, s28, s14, $0xb8;
	[tilespmem:$0x13900] =	vst v63  }
0x79: {  	_ =	swait.ge [sflag:s16], $0x4000  }
0x7a: {  	[sflag:s16] =	ssyncset.done $0x0  }
0x7b: {  	s1 =	rddreg [dreg:$0x1a];
	[sflag:s16] =	ssyncadd.s32 $0xFFFFC000  }
0x7c: {  	[hbm4b:s1+s2] =	stream.linear.scatter [tilespmem:s8], [sflag:$0x7], $0x4000, $0x38;
	[tilespmem:$0x13900] =	vst v63  }
0x7d: {  	_ =	swait.ge [sflag:s4], $0x4000  }
0x7e: {  	[sflag:s4] =	ssyncset.done $0x0  }
0x7f: {  	[sflag:s4] =	ssyncadd.s32 $0xFFFFC000  }
0x80: {  	[tilespmem:s8], [sflag:$0x5] =	stream.indirect.gather [hbm4b:s3+s14], $0x80, s26, s14, $0xb8;
	[tilespmem:$0x13900] =	vst v63  }
0x81: {  	_ =	swait.ge [sflag:s12], $0x4000  }
0x82: {  	[sflag:s12] =	ssyncset.done $0x0  }
0x83: {  	s1 =	rddreg [dreg:$0x1b];
	[sflag:s12] =	ssyncadd.s32 $0xFFFFC000  }
0x84: {  	[hbm4b:s1+s2] =	stream.linear.scatter [tilespmem:s7], [sflag:$0x7], $0x4000, $0x38;
	[tilespmem:$0x13900] =	vst v63  }
0x85: {  	_ =	swait.ge [sflag:s4], $0x4000  }
0x86: {  	[sflag:s4] =	ssyncset.done $0x0  }
0x87: {  	[sflag:s4] =	ssyncadd.s32 $0xFFFFC000  }
0x88: {  	[tilespmem:s7], [sflag:$0x6] =	stream.indirect.gather [hbm4b:s3+s14], $0x80, s25, s14, $0xb8;
	[tilespmem:$0x13900] =	vst v63  }
0x89: {  	_ =	swait.ge [sflag:s18], $0x4000  }
0x8a: {  	[sflag:s18] =	ssyncset.done $0x0  }
0x8b: {  	s1 =	rddreg [dreg:$0x1c];
	[sflag:s18] =	ssyncadd.s32 $0xFFFFC000  }
0x8c: {  	[hbm4b:s1+s2] =	stream.linear.scatter [tilespmem:s11], [sflag:$0x7], $0x4000, $0x38;
	[tilespmem:$0x13900] =	vst v63  }
0x8d: {  	_ =	swait.ge [sflag:s4], $0x4000  }
0x8e: {  	[sflag:s4] =	ssyncset.done $0x0  }
0x8f: {  	[sflag:s4] =	ssyncadd.s32 $0xFFFFC000  }
0x90: {  	[tilespmem:s11], [sflag:$0x3] =	stream.indirect.gather [hbm4b:s3+s14], $0x80, s24, s14, $0xb8;
	[tilespmem:$0x13900] =	vst v63  }
0x91: {  	_ =	swait.ge [sflag:s17], $0x4000  }
0x92: {  	[sflag:s17] =	ssyncset.done $0x0  }
0x93: {  	s1 =	rddreg [dreg:$0x1d];
	[sflag:s17] =	ssyncadd.s32 $0xFFFFC000  }
0x94: {  	[hbm4b:s1+s2] =	stream.linear.scatter [tilespmem:s9], [sflag:$0x7], $0x4000, $0x38;
	[tilespmem:$0x13900] =	vst v63  }
0x95: {  	_ =	swait.ge [sflag:s4], $0x4000  }
0x96: {  	[sflag:s4] =	ssyncset.done $0x0  }
0x97: {  	[sflag:s4] =	ssyncadd.s32 $0xFFFFC000  }
0x98: {  	[tilespmem:s9], [sflag:$0x4] =	stream.indirect.gather [hbm4b:s3+s14], $0x80, s22, s14, $0xb8;
	[tilespmem:$0x13900] =	vst v63  }
0x99: {  	_ =	swait.ge [sflag:s16], $0x4000  }
0x9a: {  	[sflag:s16] =	ssyncset.done $0x0  }
0x9b: {  	s1 =	rddreg [dreg:$0x1e];
	[sflag:s16] =	ssyncadd.s32 $0xFFFFC000  }
0x9c: {  	[hbm4b:s1+s2] =	stream.linear.scatter [tilespmem:s8], [sflag:$0x7], $0x4000, $0x38;
	[tilespmem:$0x13900] =	vst v63  }
0x9d: {  	_ =	swait.ge [sflag:s4], $0x4000  }
0x9e: {  	[sflag:s4] =	ssyncset.done $0x0  }
0x9f: {  	[sflag:s4] =	ssyncadd.s32 $0xFFFFC000  }
0xa0: {  	[tilespmem:s8], [sflag:$0x5] =	stream.indirect.gather [hbm4b:s3+s14], $0x80, s21, s14, $0xb8;
	[tilespmem:$0x13900] =	vst v63  }
0xa1: {  	_ =	swait.ge [sflag:s12], $0x4000  }
0xa2: {  	[sflag:s12] =	ssyncset.done $0x0  }
0xa3: {  	s1 =	rddreg [dreg:$0x1f];
	[sflag:s12] =	ssyncadd.s32 $0xFFFFC000  }
0xa4: {  	[hbm4b:s1+s2] =	stream.linear.scatter [tilespmem:s7], [sflag:$0x7], $0x4000, $0x38;
	[tilespmem:$0x13900] =	vst v63  }
0xa5: {  	_ =	swait.ge [sflag:s4], $0x4000  }
0xa6: {  	[sflag:s4] =	ssyncset.done $0x0  }
0xa7: {  	[sflag:s4] =	ssyncadd.s32 $0xFFFFC000  }
0xa8: {  	[tilespmem:s7], [sflag:$0x6] =	stream.indirect.gather [hbm4b:s3+s14], $0x80, s20, s14, $0xb8;
	[tilespmem:$0x13900] =	vst v63  }
0xa9: {  	_ =	swait.ge [sflag:s18], $0x4000  }
0xaa: {  	[sflag:s18] =	ssyncset.done $0x0  }
0xab: {  	s1 =	rddreg [dreg:$0xe];
	[sflag:s18] =	ssyncadd.s32 $0xFFFFC000  }
0xac: {  	[hbm4b:s1+s2] =	stream.linear.scatter [tilespmem:s11], [sflag:$0x7], $0x4000, $0x38;
	[tilespmem:$0x13900] =	vst v63  }
0xad: {  	_ =	swait.ge [sflag:s4], $0x4000  }
0xae: {  	[sflag:s4] =	ssyncset.done $0x0  }
0xaf: {  	[sflag:s4] =	ssyncadd.s32 $0xFFFFC000  }
0xb0: {  	_ =	swait.ge [sflag:s17], $0x4000  }
0xb1: {  	[sflag:s17] =	ssyncset.done $0x0  }
0xb2: {  	s1 =	rddreg [dreg:$0xf];
	[sflag:s17] =	ssyncadd.s32 $0xFFFFC000  }
0xb3: {  	[hbm4b:s1+s2] =	stream.linear.scatter [tilespmem:s9], [sflag:$0x7], $0x4000, $0x38;
	[tilespmem:$0x13900] =	vst v63  }
0xb4: {  	_ =	swait.ge [sflag:s4], $0x4000  }
0xb5: {  	[sflag:s4] =	ssyncset.done $0x0  }
0xb6: {  	[sflag:s4] =	ssyncadd.s32 $0xFFFFC000  }
0xb7: {  	_ =	swait.ge [sflag:s16], $0x4000  }
0xb8: {  	[sflag:s16] =	ssyncset.done $0x0  }
0xb9: {  	s1 =	rddreg [dreg:$0x10];
	[sflag:s16] =	ssyncadd.s32 $0xFFFFC000  }
0xba: {  	[hbm4b:s1+s2] =	stream.linear.scatter [tilespmem:s8], [sflag:$0x7], $0x4000, $0x38;
	[tilespmem:$0x13900] =	vst v63  }
0xbb: {  	_ =	swait.ge [sflag:s4], $0x4000  }
0xbc: {  	[sflag:s4] =	ssyncset.done $0x0  }
0xbd: {  	[sflag:s4] =	ssyncadd.s32 $0xFFFFC000  }
0xbe: {  	_ =	swait.ge [sflag:s12], $0x4000  }
0xbf: {  	[sflag:s12] =	ssyncset.done $0x0  }
0xc0: {  	s1 =	rddreg [dreg:$0x11];
	[sflag:s12] =	ssyncadd.s32 $0xFFFFC000  }
0xc1: {  	[hbm4b:s1+s2] =	stream.linear.scatter [tilespmem:s7], [sflag:$0x7], $0x4000, $0x38;
	[tilespmem:$0x13900] =	vst v63  }
0xc2: {  	_ =	swait.ge [sflag:s4], $0x4000  }
0xc3: {  	[sflag:s4] =	ssyncset.done $0x0  }
0xc4: {  	[sflag:s4] =	ssyncadd.s32 $0xFFFFC000  }
0xc5: {  	_ =	swait.ge [sflag:s15], $0x2000  }
0xc6: {  	[sflag:s15] =	ssyncset.done $0x0  }
0xc7: {  	s1 =	rddreg [dreg:$0x12];
	[sflag:s15] =	ssyncadd.s32 $0xFFFFE000  }
0xc8: {  	[hbm4b:s1+s2] =	stream.linear.scatter [tilespmem:s6], [sflag:$0x7], $0x1000, $0x38;
	[tilespmem:$0x13900] =	vst v63  }
0xc9: {  	_ =	swait.ge [sflag:s4], $0x1000  }
0xca: {  	[sflag:s4] =	ssyncset.done $0x0  }
0xcb: {  	s1 =	rddreg [dreg:$0x13];
	[sflag:s4] =	ssyncadd.s32 $0xFFFFF000  }
0xcc: {  	[hbm4b:s1+s2] =	stream.linear.scatter [tilespmem:s13], [sflag:$0x7], $0x1000, $0x38;
	[tilespmem:$0x13900] =	vst v63  }
0xcd: {  	_ =	swait.ge [sflag:s4], $0x1000  }
0xce: {  	[sflag:s4] =	ssyncset.done $0x0  }
0xcf: {  	[sflag:s4] =	ssyncadd.s32 $0xFFFFF000  }
0xd0: {  	p1 =	sne.s32 s19, $0x1;
	_ =	swait.ge [sflag:s10], $0x1000  }
.Ltmp1:
0xd1: {  	[sflag:s10] =	ssyncset.done $0x0;
	(pc) =	sbr.rel @!p1 .LBB2_3-.Ltmp1, $4  }
0xd2: {  	s13 =	rddreg [dreg:$0x14];
	[sflag:s10] =	ssyncadd.s32 $0xFFFFF000  }
0xd3: {  	[hbm4b:s13+s2] =	stream.linear.scatter [tilespmem:s5], [sflag:$0x7], $0x1000, $0x38;
	[tilespmem:$0x13900] =	vst v63  }
0xd4: {  	p0 =	por $0x1, $0x1;
	_ =	swait.ge [sflag:s4], $0x1000  }
0xd5: {  	s1 =	sadd.s32 $0xFFFFFFFF, s19;
	s0 =	rddreg [dreg:$0xb];
	[sflag:s4] =	ssyncset.done $0x0  }
.LBB2_4:
0xd6: {  	[sflag:s4] =	ssyncadd.s32 $0xFFFFF000  }
0xd7: {  	[tilespmem:s31], [sflag:$0x7] =	stream.linear.gather [hbm4b:s0+s2], $0x800, $0x38;
	[tilespmem:$0x13900] =	vst v63  }
0xd8: {  	_ =	swait.ge [sflag:s4], $0x800  }
0xd9: {  	[sflag:s4] =	ssyncset.done $0x0  }
0xda: {  	s19 =	rddreg [dreg:$0xc];
	[sflag:s4] =	ssyncadd.s32 $0xFFFFF800  }
0xdb: {  	[tilespmem:s2], [sflag:$0x7] =	stream.linear.gather [hbm4b:s19+s2], $0x80, $0x38;
	[tilespmem:$0x13900] =	vst v63  }
0xdc: {  	_ =	swait.ge [sflag:s4], $0x80  }
0xdd: {  	[sflag:s4] =	ssyncset.done $0x0  }
0xde: {  	s13 =	rddreg [dreg:$0xd];
	[sflag:s4] =	ssyncadd.s32 $0xFFFFFF80  }
0xdf: {  	[tilespmem:s14], [sflag:$0x7] =	stream.linear.gather [hbm4b:s13+s2], $0x80, $0x38;
	[tilespmem:$0x13900] =	vst v63  }
0xe0: {  	_ =	swait.ge [sflag:s4], $0x80  }
0xe1: {  	[sflag:s4] =	ssyncset.done $0x0  }
0xe2: {  	s13 =	sld [smem:$0x7F7];
	[sflag:s4] =	ssyncadd.s32 $0xFFFFFF80  }
0xe3: {  	[tilespmem:s11], [sflag:$0x3] =	stream.indirect.gather [hbm4b:s3+s14], $0x80, s31, s14, $0xb8;
	[tilespmem:$0x13900] =	vst v63  }
0xe4: {  	s19 =	sld [smem:$0x7F8]  }
0xe5: {  	[tilespmem:s9], [sflag:$0x4] =	stream.indirect.gather [hbm4b:s3+s14], $0x80, s13, s14, $0xb8;
	[tilespmem:$0x13900] =	vst v63  }
0xe6: {  	s13 =	sld [smem:$0x7F9]  }
0xe7: {  	[tilespmem:s8], [sflag:$0x5] =	stream.indirect.gather [hbm4b:s3+s14], $0x80, s19, s14, $0xb8;
	[tilespmem:$0x13900] =	vst v63  }
0xe8: {  	s19 =	sld [smem:$0x7FA]  }
0xe9: {  	[tilespmem:s7], [sflag:$0x6] =	stream.indirect.gather [hbm4b:s3+s14], $0x80, s13, s14, $0xb8;
	[tilespmem:$0x13900] =	vst v63  }
0xea: {  	s0 =	sld [smem:$0x7FB]  }
0xeb: {  	[tilespmem:s6], [sflag:$0x1] =	stream.indirect.gather [hbm4b:s3+s19], $0x80, s2, s19, $0xb8;
	[tilespmem:$0x13900] =	vst v63  }
0xec: {  	s13 =	rddreg [dreg:$0xa]  }
0xed: {  	[tilespmem:s5], [sflag:$0x2] =	stream.indirect.gather [hbm4b:s13+s0], $0x80, s14, s0, $0xb8;
	[tilespmem:$0x13900] =	vst v63  }
0xee: {  	_ =	swait.ge [sflag:s18], $0x4000  }
0xef: {  	[sflag:s18] =	ssyncset.done $0x0  }
0xf0: {  	[sflag:s18] =	ssyncadd.s32 $0xFFFFC000  }
0xf1: {  	[hbm4b:s23+s2] =	stream.linear.scatter [tilespmem:s11], [sflag:$0x7], $0x4000, $0x38;
	[tilespmem:$0x13900] =	vst v63  }
0xf2: {  	_ =	swait.ge [sflag:s4], $0x4000  }
0xf3: {  	s19 =	sld [smem:$0x7FC]  }
0xf4: {  	[sflag:s4] =	ssyncset.done $0x0  }
0xf5: {  	[sflag:s4] =	ssyncadd.s32 $0xFFFFC000  }
0xf6: {  	[tilespmem:s11], [sflag:$0x3] =	stream.indirect.gather [hbm4b:s3+s14], $0x80, s19, s14, $0xb8;
	[tilespmem:$0x13900] =	vst v63  }
0xf7: {  	_ =	swait.ge [sflag:s17], $0x4000  }
0xf8: {  	[sflag:s17] =	ssyncset.done $0x0  }
0xf9: {  	s19 =	rddreg [dreg:$0x15];
	[sflag:s17] =	ssyncadd.s32 $0xFFFFC000  }
0xfa: {  	[hbm4b:s19+s2] =	stream.linear.scatter [tilespmem:s9], [sflag:$0x7], $0x4000, $0x38;
	[tilespmem:$0x13900] =	vst v63  }
0xfb: {  	_ =	swait.ge [sflag:s4], $0x4000  }
0xfc: {  	s19 =	sld [smem:$0x7FD]  }
0xfd: {  	[sflag:s4] =	ssyncset.done $0x0  }
0xfe: {  	[sflag:s4] =	ssyncadd.s32 $0xFFFFC000  }
0xff: {  	[tilespmem:s9], [sflag:$0x4] =	stream.indirect.gather [hbm4b:s3+s14], $0x80, s19, s14, $0xb8;
	[tilespmem:$0x13900] =	vst v63  }
0x100: {  	_ =	swait.ge [sflag:s16], $0x4000  }
0x101: {  	[sflag:s16] =	ssyncset.done $0x0  }
0x102: {  	s19 =	rddreg [dreg:$0x16];
	[sflag:s16] =	ssyncadd.s32 $0xFFFFC000  }
0x103: {  	[hbm4b:s19+s2] =	stream.linear.scatter [tilespmem:s8], [sflag:$0x7], $0x4000, $0x38;
	[tilespmem:$0x13900] =	vst v63  }
0x104: {  	_ =	swait.ge [sflag:s4], $0x4000  }
0x105: {  	[sflag:s4] =	ssyncset.done $0x0  }
0x106: {  	s19 =	simm.s32 $0x400;
	[sflag:s4] =	ssyncadd.s32 $0xFFFFC000  }
0x107: {  	[tilespmem:s8], [sflag:$0x5] =	stream.indirect.gather [hbm4b:s3+s14], $0x80, s19, s14, $0xb8;
	[tilespmem:$0x13900] =	vst v63  }
0x108: {  	_ =	swait.ge [sflag:s12], $0x4000  }
0x109: {  	[sflag:s12] =	ssyncset.done $0x0  }
0x10a: {  	s19 =	rddreg [dreg:$0x17];
	[sflag:s12] =	ssyncadd.s32 $0xFFFFC000  }
0x10b: {  	[hbm4b:s19+s2] =	stream.linear.scatter [tilespmem:s7], [sflag:$0x7], $0x4000, $0x38;
	[tilespmem:$0x13900] =	vst v63  }
0x10c: {  	_ =	swait.ge [sflag:s4], $0x4000  }
0x10d: {  	[sflag:s4] =	ssyncset.done $0x0  }
0x10e: {  	[sflag:s4] =	ssyncadd.s32 $0xFFFFC000  }
0x10f: {  	[tilespmem:s7], [sflag:$0x6] =	stream.indirect.gather [hbm4b:s3+s14], $0x80, s30, s14, $0xb8;
	[tilespmem:$0x13900] =	vst v63  }
0x110: {  	_ =	swait.ge [sflag:s18], $0x4000  }
0x111: {  	[sflag:s18] =	ssyncset.done $0x0  }
0x112: {  	s19 =	rddreg [dreg:$0x18];
	[sflag:s18] =	ssyncadd.s32 $0xFFFFC000  }
0x113: {  	[hbm4b:s19+s2] =	stream.linear.scatter [tilespmem:s11], [sflag:$0x7], $0x4000, $0x38;
	[tilespmem:$0x13900] =	vst v63  }
0x114: {  	_ =	swait.ge [sflag:s4], $0x4000  }
0x115: {  	[sflag:s4] =	ssyncset.done $0x0  }
0x116: {  	[sflag:s4] =	ssyncadd.s32 $0xFFFFC000  }
0x117: {  	[tilespmem:s11], [sflag:$0x3] =	stream.indirect.gather [hbm4b:s3+s14], $0x80, s29, s14, $0xb8;
	[tilespmem:$0x13900] =	vst v63  }
0x118: {  	_ =	swait.ge [sflag:s17], $0x4000  }
0x119: {  	[sflag:s17] =	ssyncset.done $0x0  }
0x11a: {  	s19 =	rddreg [dreg:$0x19];
	[sflag:s17] =	ssyncadd.s32 $0xFFFFC000  }
0x11b: {  	[hbm4b:s19+s2] =	stream.linear.scatter [tilespmem:s9], [sflag:$0x7], $0x4000, $0x38;
	[tilespmem:$0x13900] =	vst v63  }
0x11c: {  	_ =	swait.ge [sflag:s4], $0x4000  }
0x11d: {  	[sflag:s4] =	ssyncset.done $0x0  }
0x11e: {  	[sflag:s4] =	ssyncadd.s32 $0xFFFFC000  }
0x11f: {  	[tilespmem:s9], [sflag:$0x4] =	stream.indirect.gather [hbm4b:s3+s14], $0x80, s28, s14, $0xb8;
	[tilespmem:$0x13900] =	vst v63  }
0x120: {  	_ =	swait.ge [sflag:s16], $0x4000  }
0x121: {  	[sflag:s16] =	ssyncset.done $0x0  }
0x122: {  	s19 =	rddreg [dreg:$0x1a];
	[sflag:s16] =	ssyncadd.s32 $0xFFFFC000  }
0x123: {  	[hbm4b:s19+s2] =	stream.linear.scatter [tilespmem:s8], [sflag:$0x7], $0x4000, $0x38;
	[tilespmem:$0x13900] =	vst v63  }
0x124: {  	_ =	swait.ge [sflag:s4], $0x4000  }
0x125: {  	[sflag:s4] =	ssyncset.done $0x0  }
0x126: {  	[sflag:s4] =	ssyncadd.s32 $0xFFFFC000  }
0x127: {  	[tilespmem:s8], [sflag:$0x5] =	stream.indirect.gather [hbm4b:s3+s14], $0x80, s26, s14, $0xb8;
	[tilespmem:$0x13900] =	vst v63  }
0x128: {  	_ =	swait.ge [sflag:s12], $0x4000  }
0x129: {  	[sflag:s12] =	ssyncset.done $0x0  }
0x12a: {  	s19 =	rddreg [dreg:$0x1b];
	[sflag:s12] =	ssyncadd.s32 $0xFFFFC000  }
0x12b: {  	[hbm4b:s19+s2] =	stream.linear.scatter [tilespmem:s7], [sflag:$0x7], $0x4000, $0x38;
	[tilespmem:$0x13900] =	vst v63  }
0x12c: {  	_ =	swait.ge [sflag:s4], $0x4000  }
0x12d: {  	[sflag:s4] =	ssyncset.done $0x0  }
0x12e: {  	[sflag:s4] =	ssyncadd.s32 $0xFFFFC000  }
0x12f: {  	[tilespmem:s7], [sflag:$0x6] =	stream.indirect.gather [hbm4b:s3+s14], $0x80, s25, s14, $0xb8;
	[tilespmem:$0x13900] =	vst v63  }
0x130: {  	_ =	swait.ge [sflag:s18], $0x4000  }
0x131: {  	[sflag:s18] =	ssyncset.done $0x0  }
0x132: {  	s19 =	rddreg [dreg:$0x1c];
	[sflag:s18] =	ssyncadd.s32 $0xFFFFC000  }
0x133: {  	[hbm4b:s19+s2] =	stream.linear.scatter [tilespmem:s11], [sflag:$0x7], $0x4000, $0x38;
	[tilespmem:$0x13900] =	vst v63  }
0x134: {  	_ =	swait.ge [sflag:s4], $0x4000  }
0x135: {  	[sflag:s4] =	ssyncset.done $0x0  }
0x136: {  	[sflag:s4] =	ssyncadd.s32 $0xFFFFC000  }
0x137: {  	[tilespmem:s11], [sflag:$0x3] =	stream.indirect.gather [hbm4b:s3+s14], $0x80, s24, s14, $0xb8;
	[tilespmem:$0x13900] =	vst v63  }
0x138: {  	_ =	swait.ge [sflag:s17], $0x4000  }
0x139: {  	[sflag:s17] =	ssyncset.done $0x0  }
0x13a: {  	s19 =	rddreg [dreg:$0x1d];
	[sflag:s17] =	ssyncadd.s32 $0xFFFFC000  }
0x13b: {  	[hbm4b:s19+s2] =	stream.linear.scatter [tilespmem:s9], [sflag:$0x7], $0x4000, $0x38;
	[tilespmem:$0x13900] =	vst v63  }
0x13c: {  	_ =	swait.ge [sflag:s4], $0x4000  }
0x13d: {  	[sflag:s4] =	ssyncset.done $0x0  }
0x13e: {  	[sflag:s4] =	ssyncadd.s32 $0xFFFFC000  }
0x13f: {  	[tilespmem:s9], [sflag:$0x4] =	stream.indirect.gather [hbm4b:s3+s14], $0x80, s22, s14, $0xb8;
	[tilespmem:$0x13900] =	vst v63  }
0x140: {  	_ =	swait.ge [sflag:s16], $0x4000  }
0x141: {  	[sflag:s16] =	ssyncset.done $0x0  }
0x142: {  	s19 =	rddreg [dreg:$0x1e];
	[sflag:s16] =	ssyncadd.s32 $0xFFFFC000  }
0x143: {  	[hbm4b:s19+s2] =	stream.linear.scatter [tilespmem:s8], [sflag:$0x7], $0x4000, $0x38;
	[tilespmem:$0x13900] =	vst v63  }
0x144: {  	_ =	swait.ge [sflag:s4], $0x4000  }
0x145: {  	[sflag:s4] =	ssyncset.done $0x0  }
0x146: {  	[sflag:s4] =	ssyncadd.s32 $0xFFFFC000  }
0x147: {  	[tilespmem:s8], [sflag:$0x5] =	stream.indirect.gather [hbm4b:s3+s14], $0x80, s21, s14, $0xb8;
	[tilespmem:$0x13900] =	vst v63  }
0x148: {  	_ =	swait.ge [sflag:s12], $0x4000  }
0x149: {  	[sflag:s12] =	ssyncset.done $0x0  }
0x14a: {  	s19 =	rddreg [dreg:$0x1f];
	[sflag:s12] =	ssyncadd.s32 $0xFFFFC000  }
0x14b: {  	[hbm4b:s19+s2] =	stream.linear.scatter [tilespmem:s7], [sflag:$0x7], $0x4000, $0x38;
	[tilespmem:$0x13900] =	vst v63  }
0x14c: {  	_ =	swait.ge [sflag:s4], $0x4000  }
0x14d: {  	[sflag:s4] =	ssyncset.done $0x0  }
0x14e: {  	[sflag:s4] =	ssyncadd.s32 $0xFFFFC000  }
0x14f: {  	[tilespmem:s7], [sflag:$0x6] =	stream.indirect.gather [hbm4b:s3+s14], $0x80, s20, s14, $0xb8;
	[tilespmem:$0x13900] =	vst v63  }
0x150: {  	_ =	swait.ge [sflag:s18], $0x4000  }
0x151: {  	[sflag:s18] =	ssyncset.done $0x0  }
0x152: {  	s19 =	rddreg [dreg:$0xe];
	[sflag:s18] =	ssyncadd.s32 $0xFFFFC000  }
0x153: {  	[hbm4b:s19+s2] =	stream.linear.scatter [tilespmem:s11], [sflag:$0x7], $0x4000, $0x38;
	[tilespmem:$0x13900] =	vst v63  }
0x154: {  	_ =	swait.ge [sflag:s4], $0x4000  }
0x155: {  	[sflag:s4] =	ssyncset.done $0x0  }
0x156: {  	[sflag:s4] =	ssyncadd.s32 $0xFFFFC000  }
0x157: {  	_ =	swait.ge [sflag:s17], $0x4000  }
0x158: {  	[sflag:s17] =	ssyncset.done $0x0  }
0x159: {  	s19 =	rddreg [dreg:$0xf];
	[sflag:s17] =	ssyncadd.s32 $0xFFFFC000  }
0x15a: {  	[hbm4b:s19+s2] =	stream.linear.scatter [tilespmem:s9], [sflag:$0x7], $0x4000, $0x38;
	[tilespmem:$0x13900] =	vst v63  }
0x15b: {  	_ =	swait.ge [sflag:s4], $0x4000  }
0x15c: {  	[sflag:s4] =	ssyncset.done $0x0  }
0x15d: {  	[sflag:s4] =	ssyncadd.s32 $0xFFFFC000  }
0x15e: {  	_ =	swait.ge [sflag:s16], $0x4000  }
0x15f: {  	[sflag:s16] =	ssyncset.done $0x0  }
0x160: {  	s19 =	rddreg [dreg:$0x10];
	[sflag:s16] =	ssyncadd.s32 $0xFFFFC000  }
0x161: {  	[hbm4b:s19+s2] =	stream.linear.scatter [tilespmem:s8], [sflag:$0x7], $0x4000, $0x38;
	[tilespmem:$0x13900] =	vst v63  }
0x162: {  	_ =	swait.ge [sflag:s4], $0x4000  }
0x163: {  	[sflag:s4] =	ssyncset.done $0x0  }
0x164: {  	[sflag:s4] =	ssyncadd.s32 $0xFFFFC000  }
0x165: {  	_ =	swait.ge [sflag:s12], $0x4000  }
0x166: {  	[sflag:s12] =	ssyncset.done $0x0  }
0x167: {  	s19 =	rddreg [dreg:$0x11];
	[sflag:s12] =	ssyncadd.s32 $0xFFFFC000  }
0x168: {  	[hbm4b:s19+s2] =	stream.linear.scatter [tilespmem:s7], [sflag:$0x7], $0x4000, $0x38;
	[tilespmem:$0x13900] =	vst v63  }
0x169: {  	_ =	swait.ge [sflag:s4], $0x4000  }
0x16a: {  	[sflag:s4] =	ssyncset.done $0x0  }
0x16b: {  	[sflag:s4] =	ssyncadd.s32 $0xFFFFC000  }
0x16c: {  	_ =	swait.ge [sflag:s15], $0x2000  }
0x16d: {  	[sflag:s15] =	ssyncset.done $0x0  }
0x16e: {  	s19 =	rddreg [dreg:$0x12];
	[sflag:s15] =	ssyncadd.s32 $0xFFFFE000  }
0x16f: {  	[hbm4b:s19+s2] =	stream.linear.scatter [tilespmem:s6], [sflag:$0x7], $0x1000, $0x38;
	[tilespmem:$0x13900] =	vst v63  }
0x170: {  	_ =	swait.ge [sflag:s4], $0x1000  }
0x171: {  	[sflag:s4] =	ssyncset.done $0x0  }
0x172: {  	s13 =	simm.s32 $0x1900;
	s19 =	rddreg [dreg:$0x13];
	[sflag:s4] =	ssyncadd.s32 $0xFFFFF000  }
0x173: {  	[hbm4b:s19+s2] =	stream.linear.scatter [tilespmem:s13], [sflag:$0x7], $0x1000, $0x38;
	[tilespmem:$0x13900] =	vst v63  }
0x174: {  	_ =	swait.ge [sflag:s4], $0x1000  }
0x175: {  	[sflag:s4] =	ssyncset.done $0x0  }
0x176: {  	[sflag:s4] =	ssyncadd.s32 $0xFFFFF000  }
0x177: {  	p1 =	sne.s32 s1, $0x1;
	_ =	swait.ge [sflag:s10], $0x1000  }
.Ltmp2:
0x178: {  	[sflag:s10] =	ssyncset.done $0x0;
	(pc) =	sbr.rel @p1 .LBB2_4-.Ltmp2, $4  }
0x179: {  	s19 =	rddreg [dreg:$0x14];
	[sflag:s10] =	ssyncadd.s32 $0xFFFFF000  }
0x17a: {  	[hbm4b:s19+s2] =	stream.linear.scatter [tilespmem:s5], [sflag:$0x7], $0x1000, $0x38;
	[tilespmem:$0x13900] =	vst v63  }
0x17b: {  	_ =	swait.ge [sflag:s4], $0x1000  }
0x17c: {  	s1 =	sadd.s32 $0xFFFFFFFF, s1;
	s0 =	rddreg [dreg:$0xb];
	[sflag:s4] =	ssyncset.done $0x0  }
0x17d: {  	s20 =	simm.s32 $0x400  }
0x17e: {  	s30 =	simm.s32 $0x480;
	s29 =	simm.s32 $0x500;
	s28 =	simm.s32 $0x580  }
0x17f: {  	s26 =	simm.s32 $0x600;
	s25 =	simm.s32 $0x680;
	s24 =	simm.s32 $0x700  }
0x180: {  	s22 =	simm.s32 $0x780;
	s21 =	simm.s32 $0x800;
	s19 =	stileid.u32  }
.LBB2_6:
0x181: {  	[sflag:s4] =	ssyncadd.s32 @p0 $0xFFFFF000  }
0x182: {  	[tilespmem:s31], [sflag:$0x7] =	stream.linear.gather [hbm4b:s0+s2], $0x800, $0x38;
	[tilespmem:$0x13900] =	vst v63  }
0x183: {  	_ =	swait.ge [sflag:s4], $0x800  }
0x184: {  	[sflag:s4] =	ssyncset.done $0x0  }
0x185: {  	s13 =	rddreg [dreg:$0xc];
	[sflag:s4] =	ssyncadd.s32 $0xFFFFF800  }
0x186: {  	[tilespmem:s2], [sflag:$0x7] =	stream.linear.gather [hbm4b:s13+s2], $0x80, $0x38;
	[tilespmem:$0x13900] =	vst v63  }
0x187: {  	_ =	swait.ge [sflag:s4], $0x80  }
0x188: {  	[sflag:s4] =	ssyncset.done $0x0  }
0x189: {  	s1 =	rddreg [dreg:$0xd];
	[sflag:s4] =	ssyncadd.s32 $0xFFFFFF80  }
0x18a: {  	[tilespmem:s14], [sflag:$0x7] =	stream.linear.gather [hbm4b:s1+s2], $0x80, $0x38;
	[tilespmem:$0x13900] =	vst v63  }
0x18b: {  	_ =	swait.ge [sflag:s4], $0x80  }
0x18c: {  	[sflag:s4] =	ssyncset.done $0x0  }
0x18d: {  	s13 =	sld [smem:$0x7F7];
	[sflag:s4] =	ssyncadd.s32 $0xFFFFFF80  }
0x18e: {  	[tilespmem:s11], [sflag:$0x3] =	stream.indirect.gather [hbm4b:s3+s14], $0x80, s31, s14, $0xb8;
	[tilespmem:$0x13900] =	vst v63  }
0x18f: {  	s1 =	sld [smem:$0x7F8]  }
0x190: {  	[tilespmem:s9], [sflag:$0x4] =	stream.indirect.gather [hbm4b:s3+s14], $0x80, s13, s14, $0xb8;
	[tilespmem:$0x13900] =	vst v63  }
0x191: {  	s31 =	sld [smem:$0x7F9]  }
0x192: {  	[tilespmem:s8], [sflag:$0x5] =	stream.indirect.gather [hbm4b:s3+s14], $0x80, s1, s14, $0xb8;
	[tilespmem:$0x13900] =	vst v63  }
0x193: {  	s1 =	sld [smem:$0x7FA]  }
0x194: {  	[tilespmem:s7], [sflag:$0x6] =	stream.indirect.gather [hbm4b:s3+s14], $0x80, s31, s14, $0xb8;
	[tilespmem:$0x13900] =	vst v63  }
0x195: {  	s31 =	sld [smem:$0x7FB]  }
0x196: {  	[tilespmem:s6], [sflag:$0x1] =	stream.indirect.gather [hbm4b:s3+s1], $0x80, s2, s1, $0xb8;
	[tilespmem:$0x13900] =	vst v63  }
0x197: {  	s13 =	rddreg [dreg:$0xa]  }
0x198: {  	[tilespmem:s5], [sflag:$0x2] =	stream.indirect.gather [hbm4b:s13+s31], $0x80, s14, s31, $0xb8;
	[tilespmem:$0x13900] =	vst v63  }
0x199: {  	_ =	swait.ge [sflag:s18], $0x4000  }
0x19a: {  	[sflag:s18] =	ssyncset.done $0x0  }
0x19b: {  	[sflag:s18] =	ssyncadd.s32 $0xFFFFC000  }
0x19c: {  	[hbm4b:s23+s2] =	stream.linear.scatter [tilespmem:s11], [sflag:$0x7], $0x4000, $0x38;
	[tilespmem:$0x13900] =	vst v63  }
0x19d: {  	_ =	swait.ge [sflag:s4], $0x4000  }
0x19e: {  	s23 =	sld [smem:$0x7FC]  }
0x19f: {  	[sflag:s4] =	ssyncset.done $0x0  }
0x1a0: {  	[sflag:s4] =	ssyncadd.s32 $0xFFFFC000  }
0x1a1: {  	[tilespmem:s11], [sflag:$0x3] =	stream.indirect.gather [hbm4b:s3+s14], $0x80, s23, s14, $0xb8;
	[tilespmem:$0x13900] =	vst v63  }
0x1a2: {  	_ =	swait.ge [sflag:s17], $0x4000  }
0x1a3: {  	[sflag:s17] =	ssyncset.done $0x0  }
0x1a4: {  	s31 =	rddreg [dreg:$0x15];
	[sflag:s17] =	ssyncadd.s32 $0xFFFFC000  }
0x1a5: {  	[hbm4b:s31+s2] =	stream.linear.scatter [tilespmem:s9], [sflag:$0x7], $0x4000, $0x38;
	[tilespmem:$0x13900] =	vst v63  }
0x1a6: {  	_ =	swait.ge [sflag:s4], $0x4000  }
0x1a7: {  	s1 =	sld [smem:$0x7FD]  }
0x1a8: {  	[sflag:s4] =	ssyncset.done $0x0  }
0x1a9: {  	[sflag:s4] =	ssyncadd.s32 $0xFFFFC000  }
0x1aa: {  	[tilespmem:s9], [sflag:$0x4] =	stream.indirect.gather [hbm4b:s3+s14], $0x80, s1, s14, $0xb8;
	[tilespmem:$0x13900] =	vst v63  }
0x1ab: {  	_ =	swait.ge [sflag:s16], $0x4000  }
0x1ac: {  	[sflag:s16] =	ssyncset.done $0x0  }
0x1ad: {  	s13 =	rddreg [dreg:$0x16];
	[sflag:s16] =	ssyncadd.s32 $0xFFFFC000  }
0x1ae: {  	[hbm4b:s13+s2] =	stream.linear.scatter [tilespmem:s8], [sflag:$0x7], $0x4000, $0x38;
	[tilespmem:$0x13900] =	vst v63  }
0x1af: {  	_ =	swait.ge [sflag:s4], $0x4000  }
0x1b0: {  	[sflag:s4] =	ssyncset.done $0x0  }
0x1b1: {  	[sflag:s4] =	ssyncadd.s32 $0xFFFFC000  }
0x1b2: {  	[tilespmem:s8], [sflag:$0x5] =	stream.indirect.gather [hbm4b:s3+s14], $0x80, s20, s14, $0xb8;
	[tilespmem:$0x13900] =	vst v63  }
0x1b3: {  	_ =	swait.ge [sflag:s12], $0x4000  }
0x1b4: {  	[sflag:s12] =	ssyncset.done $0x0  }
0x1b5: {  	s20 =	rddreg [dreg:$0x17];
	[sflag:s12] =	ssyncadd.s32 $0xFFFFC000  }
0x1b6: {  	[hbm4b:s20+s2] =	stream.linear.scatter [tilespmem:s7], [sflag:$0x7], $0x4000, $0x38;
	[tilespmem:$0x13900] =	vst v63  }
0x1b7: {  	_ =	swait.ge [sflag:s4], $0x4000  }
0x1b8: {  	[sflag:s4] =	ssyncset.done $0x0  }
0x1b9: {  	[sflag:s4] =	ssyncadd.s32 $0xFFFFC000  }
0x1ba: {  	[tilespmem:s7], [sflag:$0x6] =	stream.indirect.gather [hbm4b:s3+s14], $0x80, s30, s14, $0xb8;
	[tilespmem:$0x13900] =	vst v63  }
0x1bb: {  	_ =	swait.ge [sflag:s18], $0x4000  }
0x1bc: {  	[sflag:s18] =	ssyncset.done $0x0  }
0x1bd: {  	s23 =	rddreg [dreg:$0x18];
	[sflag:s18] =	ssyncadd.s32 $0xFFFFC000  }
0x1be: {  	[hbm4b:s23+s2] =	stream.linear.scatter [tilespmem:s11], [sflag:$0x7], $0x4000, $0x38;
	[tilespmem:$0x13900] =	vst v63  }
0x1bf: {  	_ =	swait.ge [sflag:s4], $0x4000  }
0x1c0: {  	[sflag:s4] =	ssyncset.done $0x0  }
0x1c1: {  	[sflag:s4] =	ssyncadd.s32 $0xFFFFC000  }
0x1c2: {  	[tilespmem:s11], [sflag:$0x3] =	stream.indirect.gather [hbm4b:s3+s14], $0x80, s29, s14, $0xb8;
	[tilespmem:$0x13900] =	vst v63  }
0x1c3: {  	_ =	swait.ge [sflag:s17], $0x4000  }
0x1c4: {  	[sflag:s17] =	ssyncset.done $0x0  }
0x1c5: {  	s29 =	rddreg [dreg:$0x19];
	[sflag:s17] =	ssyncadd.s32 $0xFFFFC000  }
0x1c6: {  	[hbm4b:s29+s2] =	stream.linear.scatter [tilespmem:s9], [sflag:$0x7], $0x4000, $0x38;
	[tilespmem:$0x13900] =	vst v63  }
0x1c7: {  	_ =	swait.ge [sflag:s4], $0x4000  }
0x1c8: {  	[sflag:s4] =	ssyncset.done $0x0  }
0x1c9: {  	[sflag:s4] =	ssyncadd.s32 $0xFFFFC000  }
0x1ca: {  	[tilespmem:s9], [sflag:$0x4] =	stream.indirect.gather [hbm4b:s3+s14], $0x80, s28, s14, $0xb8;
	[tilespmem:$0x13900] =	vst v63  }
0x1cb: {  	_ =	swait.ge [sflag:s16], $0x4000  }
0x1cc: {  	[sflag:s16] =	ssyncset.done $0x0  }
0x1cd: {  	s30 =	rddreg [dreg:$0x1a];
	[sflag:s16] =	ssyncadd.s32 $0xFFFFC000  }
0x1ce: {  	[hbm4b:s30+s2] =	stream.linear.scatter [tilespmem:s8], [sflag:$0x7], $0x4000, $0x38;
	[tilespmem:$0x13900] =	vst v63  }
0x1cf: {  	_ =	swait.ge [sflag:s4], $0x4000  }
0x1d0: {  	[sflag:s4] =	ssyncset.done $0x0  }
0x1d1: {  	[sflag:s4] =	ssyncadd.s32 $0xFFFFC000  }
0x1d2: {  	[tilespmem:s8], [sflag:$0x5] =	stream.indirect.gather [hbm4b:s3+s14], $0x80, s26, s14, $0xb8;
	[tilespmem:$0x13900] =	vst v63  }
0x1d3: {  	_ =	swait.ge [sflag:s12], $0x4000  }
0x1d4: {  	[sflag:s12] =	ssyncset.done $0x0  }
0x1d5: {  	s31 =	rddreg [dreg:$0x1b];
	[sflag:s12] =	ssyncadd.s32 $0xFFFFC000  }
0x1d6: {  	[hbm4b:s31+s2] =	stream.linear.scatter [tilespmem:s7], [sflag:$0x7], $0x4000, $0x38;
	[tilespmem:$0x13900] =	vst v63  }
0x1d7: {  	_ =	swait.ge [sflag:s4], $0x4000  }
0x1d8: {  	[sflag:s4] =	ssyncset.done $0x0  }
0x1d9: {  	[sflag:s4] =	ssyncadd.s32 $0xFFFFC000  }
0x1da: {  	[tilespmem:s7], [sflag:$0x6] =	stream.indirect.gather [hbm4b:s3+s14], $0x80, s25, s14, $0xb8;
	[tilespmem:$0x13900] =	vst v63  }
0x1db: {  	_ =	swait.ge [sflag:s18], $0x4000  }
0x1dc: {  	[sflag:s18] =	ssyncset.done $0x0  }
0x1dd: {  	s1 =	rddreg [dreg:$0x1c];
	[sflag:s18] =	ssyncadd.s32 $0xFFFFC000  }
0x1de: {  	[hbm4b:s1+s2] =	stream.linear.scatter [tilespmem:s11], [sflag:$0x7], $0x4000, $0x38;
	[tilespmem:$0x13900] =	vst v63  }
0x1df: {  	_ =	swait.ge [sflag:s4], $0x4000  }
0x1e0: {  	[sflag:s4] =	ssyncset.done $0x0  }
0x1e1: {  	[sflag:s4] =	ssyncadd.s32 $0xFFFFC000  }
0x1e2: {  	[tilespmem:s11], [sflag:$0x3] =	stream.indirect.gather [hbm4b:s3+s14], $0x80, s24, s14, $0xb8;
	[tilespmem:$0x13900] =	vst v63  }
0x1e3: {  	_ =	swait.ge [sflag:s17], $0x4000  }
0x1e4: {  	[sflag:s17] =	ssyncset.done $0x0  }
0x1e5: {  	s13 =	rddreg [dreg:$0x1d];
	[sflag:s17] =	ssyncadd.s32 $0xFFFFC000  }
0x1e6: {  	[hbm4b:s13+s2] =	stream.linear.scatter [tilespmem:s9], [sflag:$0x7], $0x4000, $0x38;
	[tilespmem:$0x13900] =	vst v63  }
0x1e7: {  	_ =	swait.ge [sflag:s4], $0x4000  }
0x1e8: {  	[sflag:s4] =	ssyncset.done $0x0  }
0x1e9: {  	[sflag:s4] =	ssyncadd.s32 $0xFFFFC000  }
0x1ea: {  	[tilespmem:s9], [sflag:$0x4] =	stream.indirect.gather [hbm4b:s3+s14], $0x80, s22, s14, $0xb8;
	[tilespmem:$0x13900] =	vst v63  }
0x1eb: {  	_ =	swait.ge [sflag:s16], $0x4000  }
0x1ec: {  	[sflag:s16] =	ssyncset.done $0x0  }
0x1ed: {  	s20 =	rddreg [dreg:$0x1e];
	[sflag:s16] =	ssyncadd.s32 $0xFFFFC000  }
0x1ee: {  	[hbm4b:s20+s2] =	stream.linear.scatter [tilespmem:s8], [sflag:$0x7], $0x4000, $0x38;
	[tilespmem:$0x13900] =	vst v63  }
0x1ef: {  	_ =	swait.ge [sflag:s4], $0x4000  }
0x1f0: {  	[sflag:s4] =	ssyncset.done $0x0  }
0x1f1: {  	[sflag:s4] =	ssyncadd.s32 $0xFFFFC000  }
0x1f2: {  	[tilespmem:s8], [sflag:$0x5] =	stream.indirect.gather [hbm4b:s3+s14], $0x80, s21, s14, $0xb8;
	[tilespmem:$0x13900] =	vst v63  }
0x1f3: {  	_ =	swait.ge [sflag:s12], $0x4000  }
0x1f4: {  	[sflag:s12] =	ssyncset.done $0x0  }
0x1f5: {  	s21 =	rddreg [dreg:$0x1f];
	[sflag:s12] =	ssyncadd.s32 $0xFFFFC000  }
0x1f6: {  	[hbm4b:s21+s2] =	stream.linear.scatter [tilespmem:s7], [sflag:$0x7], $0x4000, $0x38;
	[tilespmem:$0x13900] =	vst v63  }
0x1f7: {  	_ =	swait.ge [sflag:s4], $0x4000  }
0x1f8: {  	[sflag:s4] =	ssyncset.done $0x0  }
0x1f9: {  	s22 =	simm.s32 $0x880;
	[sflag:s4] =	ssyncadd.s32 $0xFFFFC000  }
0x1fa: {  	[tilespmem:s7], [sflag:$0x6] =	stream.indirect.gather [hbm4b:s3+s14], $0x80, s22, s14, $0xb8;
	[tilespmem:$0x13900] =	vst v63  }
0x1fb: {  	_ =	swait.ge [sflag:s18], $0x4000  }
0x1fc: {  	[sflag:s18] =	ssyncset.done $0x0  }
0x1fd: {  	s23 =	rddreg [dreg:$0xe];
	[sflag:s18] =	ssyncadd.s32 $0xFFFFC000  }
0x1fe: {  	[hbm4b:s23+s2] =	stream.linear.scatter [tilespmem:s11], [sflag:$0x7], $0x4000, $0x38;
	[tilespmem:$0x13900] =	vst v63  }
0x1ff: {  	_ =	swait.ge [sflag:s4], $0x4000  }
0x200: {  	[sflag:s4] =	ssyncset.done $0x0  }
0x201: {  	[sflag:s4] =	ssyncadd.s32 $0xFFFFC000  }
0x202: {  	_ =	swait.ge [sflag:s17], $0x4000  }
0x203: {  	[sflag:s17] =	ssyncset.done $0x0  }
0x204: {  	s24 =	rddreg [dreg:$0xf];
	[sflag:s17] =	ssyncadd.s32 $0xFFFFC000  }
0x205: {  	[hbm4b:s24+s2] =	stream.linear.scatter [tilespmem:s9], [sflag:$0x7], $0x4000, $0x38;
	[tilespmem:$0x13900] =	vst v63  }
0x206: {  	_ =	swait.ge [sflag:s4], $0x4000  }
0x207: {  	[sflag:s4] =	ssyncset.done $0x0  }
0x208: {  	[sflag:s4] =	ssyncadd.s32 $0xFFFFC000  }
0x209: {  	_ =	swait.ge [sflag:s16], $0x4000  }
0x20a: {  	[sflag:s16] =	ssyncset.done $0x0  }
0x20b: {  	s25 =	rddreg [dreg:$0x10];
	[sflag:s16] =	ssyncadd.s32 $0xFFFFC000  }
0x20c: {  	[hbm4b:s25+s2] =	stream.linear.scatter [tilespmem:s8], [sflag:$0x7], $0x4000, $0x38;
	[tilespmem:$0x13900] =	vst v63  }
0x20d: {  	_ =	swait.ge [sflag:s4], $0x4000  }
0x20e: {  	[sflag:s4] =	ssyncset.done $0x0  }
0x20f: {  	[sflag:s4] =	ssyncadd.s32 $0xFFFFC000  }
0x210: {  	_ =	swait.ge [sflag:s12], $0x4000  }
0x211: {  	[sflag:s12] =	ssyncset.done $0x0  }
0x212: {  	s26 =	rddreg [dreg:$0x11];
	[sflag:s12] =	ssyncadd.s32 $0xFFFFC000  }
0x213: {  	[hbm4b:s26+s2] =	stream.linear.scatter [tilespmem:s7], [sflag:$0x7], $0x4000, $0x38;
	[tilespmem:$0x13900] =	vst v63  }
0x214: {  	_ =	swait.ge [sflag:s4], $0x4000  }
0x215: {  	[sflag:s4] =	ssyncset.done $0x0  }
0x216: {  	[sflag:s4] =	ssyncadd.s32 $0xFFFFC000  }
0x217: {  	_ =	swait.ge [sflag:s15], $0x2000  }
0x218: {  	[sflag:s15] =	ssyncset.done $0x0  }
0x219: {  	s28 =	rddreg [dreg:$0x12];
	[sflag:s15] =	ssyncadd.s32 $0xFFFFE000  }
0x21a: {  	[hbm4b:s28+s2] =	stream.linear.scatter [tilespmem:s6], [sflag:$0x7], $0x1000, $0x38;
	[tilespmem:$0x13900] =	vst v63  }
0x21b: {  	_ =	swait.ge [sflag:s4], $0x1000  }
0x21c: {  	[sflag:s4] =	ssyncset.done $0x0  }
0x21d: {  	s30 =	simm.s32 $0x1900;
	s29 =	rddreg [dreg:$0x13];
	[sflag:s4] =	ssyncadd.s32 $0xFFFFF000  }
0x21e: {  	[hbm4b:s29+s2] =	stream.linear.scatter [tilespmem:s30], [sflag:$0x7], $0x1000, $0x38;
	[tilespmem:$0x13900] =	vst v63  }
0x21f: {  	_ =	swait.ge [sflag:s4], $0x1000  }
0x220: {  	[sflag:s4] =	ssyncset.done $0x0  }
0x221: {  	[sflag:s4] =	ssyncadd.s32 $0xFFFFF000  }
0x222: {  	_ =	swait.ge [sflag:s10], $0x1000  }
0x223: {  	[sflag:s10] =	ssyncset.done $0x0  }
0x224: {  	s31 =	rddreg [dreg:$0x14];
	[sflag:s10] =	ssyncadd.s32 $0xFFFFF000  }
0x225: {  	[hbm4b:s31+s2] =	stream.linear.scatter [tilespmem:s5], [sflag:$0x7], $0x1000, $0x38;
	[tilespmem:$0x13900] =	vst v63  }
0x226: {  	_ =	swait.ge [sflag:s4], $0x1000  }
0x227: {  	[sflag:s4] =	ssyncset.done $0x0  }
0x228: {  	[sflag:s4] =	ssyncadd.s32 $0xFFFFF000  }
0x229: {  	_ =	sfence.sel $0x180000  }
0x22a: {  	[bflag:$0x0] =	sbarrier.arrive $0xFFFF  }
0x22b: {  	_ =	strace $0x90000047  }
0x22c: {  	[bflag:$0x2] =	sbarrier.arrive $0xFFFF  }
0x22d: {  	p0 =	sne.s32 s19, $0x0;
	s0 =	rddreg [dreg:$0x9]  }
0x22e: {  	s0 =	sadd.s32 @!p0 $0x100000, s0  }
0x22f: {  	[sflag:s0] =	ssyncadd.tile.s32 @!p0 $0x1;
	_ =	shalt  }
.LBB2_1:
.Ltmp3:
0x230: {  	(pc) =	sbr.rel .LBB2_6-.Ltmp3, $4  }
0x231: {  	_ = 	snop  }
0x232: {  	s20 =	simm.s32 $0x400;
	s30 =	simm.s32 $0x480;
	s29 =	simm.s32 $0x500  }
0x233: {  	s28 =	simm.s32 $0x580;
	s26 =	simm.s32 $0x600;
	s25 =	simm.s32 $0x680  }
0x234: {  	s24 =	simm.s32 $0x700;
	s22 =	simm.s32 $0x780;
	s21 =	simm.s32 $0x800  }
.LBB2_3:
.Ltmp4:
0x235: {  	(pc) =	sbr.rel .LBB2_6-.Ltmp4, $4  }
0x236: {  	s20 =	simm.s32 $0x400  }
0x237: {  	s30 =	simm.s32 $0x480;
	s29 =	simm.s32 $0x500;
	s28 =	simm.s32 $0x580  }
0x238: {  	s26 =	simm.s32 $0x600;
	s25 =	simm.s32 $0x680;
	s24 =	simm.s32 $0x700  }
0x239: {  	s22 =	simm.s32 $0x780;
	s21 =	simm.s32 $0x800;
	s19 =	stileid.u32  }
.Lfunc_end2:
_tile_overlayer_lowered:
.L_overlay_start_2:
0x23a: {  	(tag) =	ssettag $0x2  }
0x23b: {  	s0 =	rddreg [dreg:$0x0];
	s2 =	stileid.u32  }
0x23c: {  	s1 =	rddreg [dreg:$0x1];
	p0 =	sne.s32 s2, $0x0  }
0x23d: {  	s3 =	rddreg [dreg:$0x2];
	[bflag:$0x3] =	sbarrier.arrive $0xFFFF;
	s2 =	simm.s32 @!p0 $0x1C07  }
0x23e: {  	[timem:s3], [sflag:s2] =	dma.local @!p0 [hbm:s0], s1  }
0x23f: {  	s0 =	simm.s32 @!p0 $0x7  }
0x240: {  	_ =	swait.ge @!p0 [sflag:s0], s1  }
0x241: {  	s1 =	ssub.s32 @!p0 $0x0, s1;
	[sflag:s0] =	ssyncset.done @!p0 $0x0  }
0x242: {  	[sflag:s0] =	ssyncadd.s32 @!p0 s1  }
0x243: {  	[bflag:$0x3] =	sbarrier.arrive $0xFFFF  }
0x244: {  	_ =	shalt  }

</sc_bundles>
